<compile_context>
chip_gen: v7x
topology: tpu7x:2x2x1
jax: 0.10.2.dev20260603
libtpu: 0.0.44.dev20260713+nightly
codegen_flags: <defaults>
</compile_context>

<pallas_src>
import functools

import jax
import jax.numpy as jnp
from jax import lax
from jax.experimental import pallas as pl
from jax.experimental.pallas import tpu as pltpu
from jax.experimental.pallas import tpu_sc as plsc

NUM_RELATIONS = 1000
REL_PAD = 1024
DIM = 32
BATCH = 16384
NC = 2
NS = 16
NW = NC * NS
B_PER_W = BATCH // NW
E_WORDS = B_PER_W * DIM
W_WORDS = REL_PAD * DIM
TI_STRIDE = BATCH * 8


def _native_flat(x, rows):
    a = jnp.reshape(jnp.transpose(x), (4, 8, rows // 128, 128))
    return jnp.reshape(jnp.transpose(a, (0, 2, 1, 3)), (rows * DIM,))


@functools.partial(
    pl.kernel,
    out_type=jax.ShapeDtypeStruct((BATCH,), jnp.float32),
    mesh=plsc.VectorSubcoreMesh(core_axis_name="c", subcore_axis_name="s"),
    compiler_params=pltpu.CompilerParams(
        needs_layout_passes=False, use_tc_tiling_on_sc=False,
        skip_device_barrier=True, disable_bounds_checks=True,
        disable_semaphore_checks=True),
    scratch_types=[
        pltpu.VMEM((B_PER_W,), jnp.int32),
        pltpu.VMEM((E_WORDS,), jnp.float32),
        pltpu.VMEM((W_WORDS,), jnp.float32),
        pltpu.VMEM((E_WORDS,), jnp.float32),
        pltpu.VMEM((B_PER_W,), jnp.float32),
        pltpu.SemaphoreType.DMA,
        pltpu.SemaphoreType.DMA,
        pltpu.SemaphoreType.DMA,
        pltpu.SemaphoreType.DMA,
    ],
)
def _dist_mult(h_hbm, r_hbm, t_hbm, w_hbm, out_hbm,
               idx_v, h_v, w_v, t_v, out_v, *sems):
    wid = lax.axis_index("s") * NC + lax.axis_index("c")
    base = wid * B_PER_W

    copies = []
    for ti in range(4):
        src = ti * TI_STRIDE + wid * 4096
        copies.append([
            pltpu.async_copy(w_hbm.at[pl.ds(ti * 8192, 8192)],
                             w_v.at[pl.ds(ti * 8192, 8192)], sems[ti]),
            pltpu.async_copy(h_hbm.at[pl.ds(src, 4096)],
                             h_v.at[pl.ds(ti * 4096, 4096)], sems[ti]),
            pltpu.async_copy(t_hbm.at[pl.ds(src, 4096)],
                             t_v.at[pl.ds(ti * 4096, 4096)], sems[ti]),
        ])
    pltpu.sync_copy(r_hbm.at[pl.ds(base, B_PER_W)], idx_v)

    def make_pass(ti):
        def group(g):
            r16 = idx_v[pl.ds(g * 16, 16)]
            wrow = ((r16 >> 7) << 10) + (r16 & 127)
            ebase = (g // 8) * 1024 + (g % 8) * 16
            accs = [jnp.zeros((16,), jnp.float32) for _ in range(2)]
            for dd in range(8):
                eoff = ti * 4096 + dd * 128 + ebase
                woff = ti * 8192 + dd * 128
                h = h_v[pl.ds(eoff, 16)]
                t = t_v[pl.ds(eoff, 16)]
                w = plsc.load_gather(w_v, [wrow + woff])
                accs[dd % 2] = accs[dd % 2] + h * w * t
            acc = accs[0] + accs[1]
            ds = pl.ds(g * 16, 16)
            if ti == 0:
                out_v[ds] = acc
            else:
                out_v[ds] = out_v[ds] + acc
        return group

    for ti in range(4):
        for cp in copies[ti]:
            cp.wait()
        plsc.parallel_loop(0, B_PER_W // 16, unroll=2)(make_pass(ti))
    pltpu.sync_copy(out_v, out_hbm.at[pl.ds(base, B_PER_W)])


def kernel(e_h, r, e_t, rel_weight):
    w_pad = jnp.zeros((REL_PAD, DIM), jnp.float32).at[:NUM_RELATIONS].set(
        rel_weight)
    return _dist_mult(
        _native_flat(e_h, BATCH),
        r.astype(jnp.int32),
        _native_flat(e_t, BATCH),
        _native_flat(w_pad, REL_PAD),
    )

# --- scband reference (transcript-rebuilt; emitter-appended) ---
"""Pipeline reference for scband-dist-mult-decoder-24696061952628 (READ-ONLY COPY).

The authoritative reference and input builder live on the scoring server;
editing this copy changes nothing except your own understanding.
"""

import jax, jax.numpy as jnp
import numpy as np

NUM_RELATIONS = 1000
DIM = 32
BATCH = 16384

def _xavier_uniform(key, shape):
    fan_in, fan_out = shape[1], shape[0]
    limit = float(np.sqrt(6.0 / (fan_in + fan_out)))
    return jax.random.uniform(key, shape, minval=-limit, maxval=limit, dtype=jnp.float32)

def setup_inputs(seed: int = 0) -> dict:
    key = jax.random.key(seed)
    k1, k2, k3, k4 = jax.random.split(key, 4)
    e_h = jax.random.normal(k1, (BATCH, DIM), dtype=jnp.float32)
    r = jax.random.randint(k2, (BATCH,), 0, NUM_RELATIONS, dtype=jnp.int64 if jax.config.jax_enable_x64 else jnp.int32)
    e_t = jax.random.normal(k3, (BATCH, DIM), dtype=jnp.float32)
    rel_weight = _xavier_uniform(k4, (NUM_RELATIONS, DIM))
    return {"e_h": e_h, "r": r, "e_t": e_t, "rel_weight": rel_weight}

def reference(e_h, r, e_t, rel_weight):
    # DistMult: score = sum_d e_h[d] * rel[r][d] * e_t[d]
    w = jnp.take(rel_weight, r, axis=0)  # embedding lookup [B, DIM]
    return (e_h * w * e_t).sum(axis=1)

if __name__ == "__main__":
    import jax
    _d = setup_inputs()
    print(jax.jit(kernel)(*tuple(_d.values())))

</pallas_src>

<mosaic_0001>
#map = affine_map<(d0, d1) -> (0)>
module attributes {stable_mosaic.version = 14 : i64} {
  func.func @_dist_mult(%arg0: i32, %arg1: i32, %arg2: memref<524288xf32, #tpu.memory_space<hbm>>, %arg3: memref<16384xi32, #tpu.memory_space<hbm>>, %arg4: memref<524288xf32, #tpu.memory_space<hbm>>, %arg5: memref<32768xf32, #tpu.memory_space<hbm>>, %arg6: memref<16384xf32, #tpu.memory_space<hbm>>, %arg7: memref<512xi32, #tpu.memory_space<vmem>>, %arg8: memref<16384xf32, #tpu.memory_space<vmem>>, %arg9: memref<32768xf32, #tpu.memory_space<vmem>>, %arg10: memref<16384xf32, #tpu.memory_space<vmem>>, %arg11: memref<512xf32, #tpu.memory_space<vmem>>, %arg12: memref<!tpu.dma_semaphore, #tpu.memory_space<semaphore_mem>>, %arg13: memref<!tpu.dma_semaphore, #tpu.memory_space<semaphore_mem>>, %arg14: memref<!tpu.dma_semaphore, #tpu.memory_space<semaphore_mem>>, %arg15: memref<!tpu.dma_semaphore, #tpu.memory_space<semaphore_mem>>) attributes {dimension_semantics = [#tpu.dimension_semantics<core_parallel>, #tpu.dimension_semantics<subcore_parallel>], iteration_bounds = array<i64: 2, 16>, scalar_prefetch = 0 : i64, scratch_operands = 9 : i64, tpu.core_type = #tpu.core_type<sc_vector_subcore>, window_params = [{transform_indices = #map}, {transform_indices = #map}, {transform_indices = #map}, {transform_indices = #map}, {transform_indices = #map}]} {
    %mul3A = arith.constant 2 : i32
    %mul3A_0 = arith.muli %arg1, %mul3A : i32
    %add3A = arith.addi %mul3A_0, %arg0 : i32
    %mul3A_1 = arith.constant 512 : i32
    %mul3A_2 = arith.muli %add3A, %mul3A_1 : i32
    %mul3A_3 = arith.constant 4096 : i32
    %mul3A_4 = arith.muli %add3A, %mul3A_3 : i32
    %add3A_5 = arith.constant 0 : i32
    %add3A_6 = arith.addi %add3A_5, %mul3A_4 : i32
    %dma_start3A = arith.constant 0 : i32
    %dma_start3A_7 = tpu.memref_slice %arg9[%dma_start3A] : memref<32768xf32, #tpu.memory_space<vmem>> -> memref<8192xf32, #tpu.memory_space<vmem>>
    %dma_start3A_8 = arith.constant 0 : i32
    %dma_start3A_9 = tpu.memref_slice %arg5[%dma_start3A_8] : memref<32768xf32, #tpu.memory_space<hbm>> -> memref<8192xf32, #tpu.memory_space<hbm>>
    %dma_start3A_10 = arith.constant 0 : i32
    %dma_start3A_11 = tpu.memref_slice %arg9[%dma_start3A_10] : memref<32768xf32, #tpu.memory_space<vmem>> -> memref<8192xf32, #tpu.memory_space<vmem>>
    %dma_start3A_12 = arith.constant 0 : i32
    %dma_start3A_13 = tpu.memref_slice %arg5[%dma_start3A_12] : memref<32768xf32, #tpu.memory_space<hbm>> -> memref<8192xf32, #tpu.memory_space<hbm>>
    tpu.enqueue_dma source(%dma_start3A_13 : memref<8192xf32, #tpu.memory_space<hbm>>) target(%dma_start3A_11 : memref<8192xf32, #tpu.memory_space<vmem>>) target_semaphore(%arg12 : memref<!tpu.dma_semaphore, #tpu.memory_space<semaphore_mem>>)
    %dma_start3A_14 = arith.constant 0 : i32
    %dma_start3A_15 = tpu.memref_slice %arg8[%dma_start3A_14] : memref<16384xf32, #tpu.memory_space<vmem>> -> memref<4096xf32, #tpu.memory_space<vmem>>
    %dma_start3A_16 = tpu.memref_slice %arg2[%add3A_6] : memref<524288xf32, #tpu.memory_space<hbm>> -> memref<4096xf32, #tpu.memory_space<hbm>>
    %dma_start3A_17 = arith.constant 0 : i32
    %dma_start3A_18 = tpu.memref_slice %arg8[%dma_start3A_17] : memref<16384xf32, #tpu.memory_space<vmem>> -> memref<4096xf32, #tpu.memory_space<vmem>>
    %dma_start3A_19 = tpu.memref_slice %arg2[%add3A_6] : memref<524288xf32, #tpu.memory_space<hbm>> -> memref<4096xf32, #tpu.memory_space<hbm>>
    tpu.enqueue_dma source(%dma_start3A_19 : memref<4096xf32, #tpu.memory_space<hbm>>) target(%dma_start3A_18 : memref<4096xf32, #tpu.memory_space<vmem>>) target_semaphore(%arg12 : memref<!tpu.dma_semaphore, #tpu.memory_space<semaphore_mem>>)
    %dma_start3A_20 = arith.constant 0 : i32
    %dma_start3A_21 = tpu.memref_slice %arg10[%dma_start3A_20] : memref<16384xf32, #tpu.memory_space<vmem>> -> memref<4096xf32, #tpu.memory_space<vmem>>
    %dma_start3A_22 = tpu.memref_slice %arg4[%add3A_6] : memref<524288xf32, #tpu.memory_space<hbm>> -> memref<4096xf32, #tpu.memory_space<hbm>>
    %dma_start3A_23 = arith.constant 0 : i32
    %dma_start3A_24 = tpu.memref_slice %arg10[%dma_start3A_23] : memref<16384xf32, #tpu.memory_space<vmem>> -> memref<4096xf32, #tpu.memory_space<vmem>>
    %dma_start3A_25 = tpu.memref_slice %arg4[%add3A_6] : memref<524288xf32, #tpu.memory_space<hbm>> -> memref<4096xf32, #tpu.memory_space<hbm>>
    tpu.enqueue_dma source(%dma_start3A_25 : memref<4096xf32, #tpu.memory_space<hbm>>) target(%dma_start3A_24 : memref<4096xf32, #tpu.memory_space<vmem>>) target_semaphore(%arg12 : memref<!tpu.dma_semaphore, #tpu.memory_space<semaphore_mem>>)
    %mul3A_26 = arith.constant 4096 : i32
    %mul3A_27 = arith.muli %add3A, %mul3A_26 : i32
    %add3A_28 = arith.constant 131072 : i32
    %add3A_29 = arith.addi %add3A_28, %mul3A_27 : i32
    %dma_start3A_30 = arith.constant 8192 : i32
    %dma_start3A_31 = tpu.memref_slice %arg9[%dma_start3A_30] : memref<32768xf32, #tpu.memory_space<vmem>> -> memref<8192xf32, #tpu.memory_space<vmem>>
    %dma_start3A_32 = arith.constant 8192 : i32
    %dma_start3A_33 = tpu.memref_slice %arg5[%dma_start3A_32] : memref<32768xf32, #tpu.memory_space<hbm>> -> memref<8192xf32, #tpu.memory_space<hbm>>
    %dma_start3A_34 = arith.constant 8192 : i32
    %dma_start3A_35 = tpu.memref_slice %arg9[%dma_start3A_34] : memref<32768xf32, #tpu.memory_space<vmem>> -> memref<8192xf32, #tpu.memory_space<vmem>>
    %dma_start3A_36 = arith.constant 8192 : i32
    %dma_start3A_37 = tpu.memref_slice %arg5[%dma_start3A_36] : memref<32768xf32, #tpu.memory_space<hbm>> -> memref<8192xf32, #tpu.memory_space<hbm>>
    tpu.enqueue_dma source(%dma_start3A_37 : memref<8192xf32, #tpu.memory_space<hbm>>) target(%dma_start3A_35 : memref<8192xf32, #tpu.memory_space<vmem>>) target_semaphore(%arg13 : memref<!tpu.dma_semaphore, #tpu.memory_space<semaphore_mem>>)
    %dma_start3A_38 = arith.constant 4096 : i32
    %dma_start3A_39 = tpu.memref_slice %arg8[%dma_start3A_38] : memref<16384xf32, #tpu.memory_space<vmem>> -> memref<4096xf32, #tpu.memory_space<vmem>>
    %dma_start3A_40 = tpu.memref_slice %arg2[%add3A_29] : memref<524288xf32, #tpu.memory_space<hbm>> -> memref<4096xf32, #tpu.memory_space<hbm>>
    %dma_start3A_41 = arith.constant 4096 : i32
    %dma_start3A_42 = tpu.memref_slice %arg8[%dma_start3A_41] : memref<16384xf32, #tpu.memory_space<vmem>> -> memref<4096xf32, #tpu.memory_space<vmem>>
    %dma_start3A_43 = tpu.memref_slice %arg2[%add3A_29] : memref<524288xf32, #tpu.memory_space<hbm>> -> memref<4096xf32, #tpu.memory_space<hbm>>
    tpu.enqueue_dma source(%dma_start3A_43 : memref<4096xf32, #tpu.memory_space<hbm>>) target(%dma_start3A_42 : memref<4096xf32, #tpu.memory_space<vmem>>) target_semaphore(%arg13 : memref<!tpu.dma_semaphore, #tpu.memory_space<semaphore_mem>>)
    %dma_start3A_44 = arith.constant 4096 : i32
    %dma_start3A_45 = tpu.memref_slice %arg10[%dma_start3A_44] : memref<16384xf32, #tpu.memory_space<vmem>> -> memref<4096xf32, #tpu.memory_space<vmem>>
    %dma_start3A_46 = tpu.memref_slice %arg4[%add3A_29] : memref<524288xf32, #tpu.memory_space<hbm>> -> memref<4096xf32, #tpu.memory_space<hbm>>
    %dma_start3A_47 = arith.constant 4096 : i32
    %dma_start3A_48 = tpu.memref_slice %arg10[%dma_start3A_47] : memref<16384xf32, #tpu.memory_space<vmem>> -> memref<4096xf32, #tpu.memory_space<vmem>>
    %dma_start3A_49 = tpu.memref_slice %arg4[%add3A_29] : memref<524288xf32, #tpu.memory_space<hbm>> -> memref<4096xf32, #tpu.memory_space<hbm>>
    tpu.enqueue_dma source(%dma_start3A_49 : memref<4096xf32, #tpu.memory_space<hbm>>) target(%dma_start3A_48 : memref<4096xf32, #tpu.memory_space<vmem>>) target_semaphore(%arg13 : memref<!tpu.dma_semaphore, #tpu.memory_space<semaphore_mem>>)
    %mul3A_50 = arith.constant 4096 : i32
    %mul3A_51 = arith.muli %add3A, %mul3A_50 : i32
    %add3A_52 = arith.constant 262144 : i32
    %add3A_53 = arith.addi %add3A_52, %mul3A_51 : i32
    %dma_start3A_54 = arith.constant 16384 : i32
    %dma_start3A_55 = tpu.memref_slice %arg9[%dma_start3A_54] : memref<32768xf32, #tpu.memory_space<vmem>> -> memref<8192xf32, #tpu.memory_space<vmem>>
    %dma_start3A_56 = arith.constant 16384 : i32
    %dma_start3A_57 = tpu.memref_slice %arg5[%dma_start3A_56] : memref<32768xf32, #tpu.memory_space<hbm>> -> memref<8192xf32, #tpu.memory_space<hbm>>
    %dma_start3A_58 = arith.constant 16384 : i32
    %dma_start3A_59 = tpu.memref_slice %arg9[%dma_start3A_58] : memref<32768xf32, #tpu.memory_space<vmem>> -> memref<8192xf32, #tpu.memory_space<vmem>>
    %dma_start3A_60 = arith.constant 16384 : i32
    %dma_start3A_61 = tpu.memref_slice %arg5[%dma_start3A_60] : memref<32768xf32, #tpu.memory_space<hbm>> -> memref<8192xf32, #tpu.memory_space<hbm>>
    tpu.enqueue_dma source(%dma_start3A_61 : memref<8192xf32, #tpu.memory_space<hbm>>) target(%dma_start3A_59 : memref<8192xf32, #tpu.memory_space<vmem>>) target_semaphore(%arg14 : memref<!tpu.dma_semaphore, #tpu.memory_space<semaphore_mem>>)
    %dma_start3A_62 = arith.constant 8192 : i32
    %dma_start3A_63 = tpu.memref_slice %arg8[%dma_start3A_62] : memref<16384xf32, #tpu.memory_space<vmem>> -> memref<4096xf32, #tpu.memory_space<vmem>>
    %dma_start3A_64 = tpu.memref_slice %arg2[%add3A_53] : memref<524288xf32, #tpu.memory_space<hbm>> -> memref<4096xf32, #tpu.memory_space<hbm>>
    %dma_start3A_65 = arith.constant 8192 : i32
    %dma_start3A_66 = tpu.memref_slice %arg8[%dma_start3A_65] : memref<16384xf32, #tpu.memory_space<vmem>> -> memref<4096xf32, #tpu.memory_space<vmem>>
    %dma_start3A_67 = tpu.memref_slice %arg2[%add3A_53] : memref<524288xf32, #tpu.memory_space<hbm>> -> memref<4096xf32, #tpu.memory_space<hbm>>
    tpu.enqueue_dma source(%dma_start3A_67 : memref<4096xf32, #tpu.memory_space<hbm>>) target(%dma_start3A_66 : memref<4096xf32, #tpu.memory_space<vmem>>) target_semaphore(%arg14 : memref<!tpu.dma_semaphore, #tpu.memory_space<semaphore_mem>>)
    %dma_start3A_68 = arith.constant 8192 : i32
    %dma_start3A_69 = tpu.memref_slice %arg10[%dma_start3A_68] : memref<16384xf32, #tpu.memory_space<vmem>> -> memref<4096xf32, #tpu.memory_space<vmem>>
    %dma_start3A_70 = tpu.memref_slice %arg4[%add3A_53] : memref<524288xf32, #tpu.memory_space<hbm>> -> memref<4096xf32, #tpu.memory_space<hbm>>
    %dma_start3A_71 = arith.constant 8192 : i32
    %dma_start3A_72 = tpu.memref_slice %arg10[%dma_start3A_71] : memref<16384xf32, #tpu.memory_space<vmem>> -> memref<4096xf32, #tpu.memory_space<vmem>>
    %dma_start3A_73 = tpu.memref_slice %arg4[%add3A_53] : memref<524288xf32, #tpu.memory_space<hbm>> -> memref<4096xf32, #tpu.memory_space<hbm>>
    tpu.enqueue_dma source(%dma_start3A_73 : memref<4096xf32, #tpu.memory_space<hbm>>) target(%dma_start3A_72 : memref<4096xf32, #tpu.memory_space<vmem>>) target_semaphore(%arg14 : memref<!tpu.dma_semaphore, #tpu.memory_space<semaphore_mem>>)
    %mul3A_74 = arith.constant 4096 : i32
    %mul3A_75 = arith.muli %add3A, %mul3A_74 : i32
    %add3A_76 = arith.constant 393216 : i32
    %add3A_77 = arith.addi %add3A_76, %mul3A_75 : i32
    %dma_start3A_78 = arith.constant 24576 : i32
    %dma_start3A_79 = tpu.memref_slice %arg9[%dma_start3A_78] : memref<32768xf32, #tpu.memory_space<vmem>> -> memref<8192xf32, #tpu.memory_space<vmem>>
    %dma_start3A_80 = arith.constant 24576 : i32
    %dma_start3A_81 = tpu.memref_slice %arg5[%dma_start3A_80] : memref<32768xf32, #tpu.memory_space<hbm>> -> memref<8192xf32, #tpu.memory_space<hbm>>
    %dma_start3A_82 = arith.constant 24576 : i32
    %dma_start3A_83 = tpu.memref_slice %arg9[%dma_start3A_82] : memref<32768xf32, #tpu.memory_space<vmem>> -> memref<8192xf32, #tpu.memory_space<vmem>>
    %dma_start3A_84 = arith.constant 24576 : i32
    %dma_start3A_85 = tpu.memref_slice %arg5[%dma_start3A_84] : memref<32768xf32, #tpu.memory_space<hbm>> -> memref<8192xf32, #tpu.memory_space<hbm>>
    tpu.enqueue_dma source(%dma_start3A_85 : memref<8192xf32, #tpu.memory_space<hbm>>) target(%dma_start3A_83 : memref<8192xf32, #tpu.memory_space<vmem>>) target_semaphore(%arg15 : memref<!tpu.dma_semaphore, #tpu.memory_space<semaphore_mem>>)
    %dma_start3A_86 = arith.constant 12288 : i32
    %dma_start3A_87 = tpu.memref_slice %arg8[%dma_start3A_86] : memref<16384xf32, #tpu.memory_space<vmem>> -> memref<4096xf32, #tpu.memory_space<vmem>>
    %dma_start3A_88 = tpu.memref_slice %arg2[%add3A_77] : memref<524288xf32, #tpu.memory_space<hbm>> -> memref<4096xf32, #tpu.memory_space<hbm>>
    %dma_start3A_89 = arith.constant 12288 : i32
    %dma_start3A_90 = tpu.memref_slice %arg8[%dma_start3A_89] : memref<16384xf32, #tpu.memory_space<vmem>> -> memref<4096xf32, #tpu.memory_space<vmem>>
    %dma_start3A_91 = tpu.memref_slice %arg2[%add3A_77] : memref<524288xf32, #tpu.memory_space<hbm>> -> memref<4096xf32, #tpu.memory_space<hbm>>
    tpu.enqueue_dma source(%dma_start3A_91 : memref<4096xf32, #tpu.memory_space<hbm>>) target(%dma_start3A_90 : memref<4096xf32, #tpu.memory_space<vmem>>) target_semaphore(%arg15 : memref<!tpu.dma_semaphore, #tpu.memory_space<semaphore_mem>>)
    %dma_start3A_92 = arith.constant 12288 : i32
    %dma_start3A_93 = tpu.memref_slice %arg10[%dma_start3A_92] : memref<16384xf32, #tpu.memory_space<vmem>> -> memref<4096xf32, #tpu.memory_space<vmem>>
    %dma_start3A_94 = tpu.memref_slice %arg4[%add3A_77] : memref<524288xf32, #tpu.memory_space<hbm>> -> memref<4096xf32, #tpu.memory_space<hbm>>
    %dma_start3A_95 = arith.constant 12288 : i32
    %dma_start3A_96 = tpu.memref_slice %arg10[%dma_start3A_95] : memref<16384xf32, #tpu.memory_space<vmem>> -> memref<4096xf32, #tpu.memory_space<vmem>>
    %dma_start3A_97 = tpu.memref_slice %arg4[%add3A_77] : memref<524288xf32, #tpu.memory_space<hbm>> -> memref<4096xf32, #tpu.memory_space<hbm>>
    tpu.enqueue_dma source(%dma_start3A_97 : memref<4096xf32, #tpu.memory_space<hbm>>) target(%dma_start3A_96 : memref<4096xf32, #tpu.memory_space<vmem>>) target_semaphore(%arg15 : memref<!tpu.dma_semaphore, #tpu.memory_space<semaphore_mem>>)
    "tpu.region"() ({
      %run_scoped3A = tpu.sem_alloc : memref<!tpu.dma_semaphore, #tpu.memory_space<semaphore_mem>>
      %dma_start3A_188 = tpu.memref_slice %arg3[%mul3A_2] : memref<16384xi32, #tpu.memory_space<hbm>> -> memref<512xi32, #tpu.memory_space<hbm>>
      %dma_start3A_189 = tpu.memref_slice %arg3[%mul3A_2] : memref<16384xi32, #tpu.memory_space<hbm>> -> memref<512xi32, #tpu.memory_space<hbm>>
      tpu.enqueue_dma source(%dma_start3A_189 : memref<512xi32, #tpu.memory_space<hbm>>) target(%arg7 : memref<512xi32, #tpu.memory_space<vmem>>) target_semaphore(%run_scoped3A : memref<!tpu.dma_semaphore, #tpu.memory_space<semaphore_mem>>)
      %dma_wait3A_190 = tpu.memref_slice %arg3[%mul3A_2] : memref<16384xi32, #tpu.memory_space<hbm>> -> memref<512xi32, #tpu.memory_space<hbm>>
      %dma_wait3A_191 = tpu.memref_slice %arg3[%mul3A_2] : memref<16384xi32, #tpu.memory_space<hbm>> -> memref<512xi32, #tpu.memory_space<hbm>>
      tpu.wait_dma2 semaphore(%run_scoped3A : memref<!tpu.dma_semaphore, #tpu.memory_space<semaphore_mem>>) src(%dma_wait3A_191 : memref<512xi32, #tpu.memory_space<hbm>>) dst(%arg7 : memref<512xi32, #tpu.memory_space<vmem>>)
      tpu.yield
    }) : () -> ()
    %dma_wait3A = arith.constant 0 : i32
    %dma_wait3A_98 = tpu.memref_slice %arg9[%dma_wait3A] : memref<32768xf32, #tpu.memory_space<vmem>> -> memref<8192xf32, #tpu.memory_space<vmem>>
    %dma_wait3A_99 = arith.constant 0 : i32
    %dma_wait3A_100 = tpu.memref_slice %arg5[%dma_wait3A_99] : memref<32768xf32, #tpu.memory_space<hbm>> -> memref<8192xf32, #tpu.memory_space<hbm>>
    %dma_wait3A_101 = arith.constant 0 : i32
    %dma_wait3A_102 = tpu.memref_slice %arg9[%dma_wait3A_101] : memref<32768xf32, #tpu.memory_space<vmem>> -> memref<8192xf32, #tpu.memory_space<vmem>>
    %dma_wait3A_103 = arith.constant 0 : i32
    %dma_wait3A_104 = tpu.memref_slice %arg5[%dma_wait3A_103] : memref<32768xf32, #tpu.memory_space<hbm>> -> memref<8192xf32, #tpu.memory_space<hbm>>
    tpu.wait_dma2 semaphore(%arg12 : memref<!tpu.dma_semaphore, #tpu.memory_space<semaphore_mem>>) src(%dma_wait3A_104 : memref<8192xf32, #tpu.memory_space<hbm>>) dst(%dma_wait3A_102 : memref<8192xf32, #tpu.memory_space<vmem>>)
    %dma_wait3A_105 = arith.constant 0 : i32
    %dma_wait3A_106 = tpu.memref_slice %arg8[%dma_wait3A_105] : memref<16384xf32, #tpu.memory_space<vmem>> -> memref<4096xf32, #tpu.memory_space<vmem>>
    %dma_wait3A_107 = tpu.memref_slice %arg2[%add3A_6] : memref<524288xf32, #tpu.memory_space<hbm>> -> memref<4096xf32, #tpu.memory_space<hbm>>
    %dma_wait3A_108 = arith.constant 0 : i32
    %dma_wait3A_109 = tpu.memref_slice %arg8[%dma_wait3A_108] : memref<16384xf32, #tpu.memory_space<vmem>> -> memref<4096xf32, #tpu.memory_space<vmem>>
    %dma_wait3A_110 = tpu.memref_slice %arg2[%add3A_6] : memref<524288xf32, #tpu.memory_space<hbm>> -> memref<4096xf32, #tpu.memory_space<hbm>>
    tpu.wait_dma2 semaphore(%arg12 : memref<!tpu.dma_semaphore, #tpu.memory_space<semaphore_mem>>) src(%dma_wait3A_110 : memref<4096xf32, #tpu.memory_space<hbm>>) dst(%dma_wait3A_109 : memref<4096xf32, #tpu.memory_space<vmem>>)
    %dma_wait3A_111 = arith.constant 0 : i32
    %dma_wait3A_112 = tpu.memref_slice %arg10[%dma_wait3A_111] : memref<16384xf32, #tpu.memory_space<vmem>> -> memref<4096xf32, #tpu.memory_space<vmem>>
    %dma_wait3A_113 = tpu.memref_slice %arg4[%add3A_6] : memref<524288xf32, #tpu.memory_space<hbm>> -> memref<4096xf32, #tpu.memory_space<hbm>>
    %dma_wait3A_114 = arith.constant 0 : i32
    %dma_wait3A_115 = tpu.memref_slice %arg10[%dma_wait3A_114] : memref<16384xf32, #tpu.memory_space<vmem>> -> memref<4096xf32, #tpu.memory_space<vmem>>
    %dma_wait3A_116 = tpu.memref_slice %arg4[%add3A_6] : memref<524288xf32, #tpu.memory_space<hbm>> -> memref<4096xf32, #tpu.memory_space<hbm>>
    tpu.wait_dma2 semaphore(%arg12 : memref<!tpu.dma_semaphore, #tpu.memory_space<semaphore_mem>>) src(%dma_wait3A_116 : memref<4096xf32, #tpu.memory_space<hbm>>) dst(%dma_wait3A_115 : memref<4096xf32, #tpu.memory_space<vmem>>)
    %parallel_loop3A = arith.constant 0 : i32
    %parallel_loop3A_117 = arith.constant 32 : i32
    %parallel_loop3A_118 = arith.constant 1 : i32
    scf.for %parallel_loop3A_188 = %parallel_loop3A to %parallel_loop3A_117 step %parallel_loop3A_118  : i32 {
      %parallel_loop3A_189 = arith.constant 16 : i32
      %parallel_loop3A_190 = arith.muli %parallel_loop3A_188, %parallel_loop3A_189 : i32
      %parallel_loop3A_191 = arith.index_cast %parallel_loop3A_190 : i32 to index
      %parallel_loop3A_192 = tpu.vector_load %arg7[%parallel_loop3A_191] {strides = array<i32>} : memref<512xi32, #tpu.memory_space<vmem>>, vector<16xi32>,
      %parallel_loop3A_193 = arith.constant 7 : i32
      %parallel_loop3A_194 = vector.broadcast %parallel_loop3A_193 : i32 to vector<16xi32>
      %parallel_loop3A_195 = arith.shrsi %parallel_loop3A_192, %parallel_loop3A_194 : vector<16xi32>
      %parallel_loop3A_196 = arith.constant 10 : i32
      %parallel_loop3A_197 = vector.broadcast %parallel_loop3A_196 : i32 to vector<16xi32>
      %parallel_loop3A_198 = arith.shli %parallel_loop3A_195, %parallel_loop3A_197 : vector<16xi32>
      %parallel_loop3A_199 = arith.constant 127 : i32
      %parallel_loop3A_200 = vector.broadcast %parallel_loop3A_199 : i32 to vector<16xi32>
      %parallel_loop3A_201 = arith.andi %parallel_loop3A_192, %parallel_loop3A_200 : vector<16xi32>
      %parallel_loop3A_202 = arith.addi %parallel_loop3A_198, %parallel_loop3A_201 : vector<16xi32>
      %parallel_loop3A_203 = arith.constant 8 : i32
      %parallel_loop3A_204 = arith.divsi %parallel_loop3A_188, %parallel_loop3A_203 : i32
      %parallel_loop3A_205 = arith.constant 0 : i32
      %parallel_loop3A_206 = arith.cmpi sgt, %parallel_loop3A_188, %parallel_loop3A_205 : i32
      %parallel_loop3A_207 = arith.extui %parallel_loop3A_206 : i1 to i32
      %parallel_loop3A_208 = arith.constant 0 : i32
      %parallel_loop3A_209 = arith.cmpi slt, %parallel_loop3A_188, %parallel_loop3A_208 : i32
      %parallel_loop3A_210 = arith.extui %parallel_loop3A_209 : i1 to i32
      %parallel_loop3A_211 = arith.subi %parallel_loop3A_207, %parallel_loop3A_210 : i32
      %parallel_loop3A_212 = arith.constant 0 : i32
      %parallel_loop3A_213 = arith.cmpi sgt, %parallel_loop3A_203, %parallel_loop3A_212 : i32
      %parallel_loop3A_214 = arith.extui %parallel_loop3A_213 : i1 to i32
      %parallel_loop3A_215 = arith.constant 0 : i32
      %parallel_loop3A_216 = arith.cmpi slt, %parallel_loop3A_203, %parallel_loop3A_215 : i32
      %parallel_loop3A_217 = arith.extui %parallel_loop3A_216 : i1 to i32
      %parallel_loop3A_218 = arith.subi %parallel_loop3A_214, %parallel_loop3A_217 : i32
      %parallel_loop3A_219 = arith.cmpi ne, %parallel_loop3A_211, %parallel_loop3A_218 : i32
      %parallel_loop3A_220 = arith.remsi %parallel_loop3A_188, %parallel_loop3A_203 : i32
      %parallel_loop3A_221 = arith.constant 0 : i32
      %parallel_loop3A_222 = arith.cmpi ne, %parallel_loop3A_220, %parallel_loop3A_221 : i32
      %parallel_loop3A_223 = arith.andi %parallel_loop3A_219, %parallel_loop3A_222 : i1
      %parallel_loop3A_224 = arith.constant 1 : i32
      %parallel_loop3A_225 = arith.subi %parallel_loop3A_204, %parallel_loop3A_224 : i32
      %parallel_loop3A_226 = arith.select %parallel_loop3A_223, %parallel_loop3A_225, %parallel_loop3A_204 : i32
      %parallel_loop3A_227 = arith.constant 1024 : i32
      %parallel_loop3A_228 = arith.muli %parallel_loop3A_226, %parallel_loop3A_227 : i32
      %parallel_loop3A_229 = arith.constant 8 : i32
      %parallel_loop3A_230 = arith.constant 0 : i32
      %parallel_loop3A_231 = arith.cmpi eq, %parallel_loop3A_229, %parallel_loop3A_230 : i32
      %parallel_loop3A_232 = arith.constant 1 : i32
      %parallel_loop3A_233 = arith.select %parallel_loop3A_231, %parallel_loop3A_232, %parallel_loop3A_229 : i32
      %parallel_loop3A_234 = arith.remsi %parallel_loop3A_188, %parallel_loop3A_233 : i32
      %parallel_loop3A_235 = arith.constant 0 : i32
      %parallel_loop3A_236 = arith.cmpi ne, %parallel_loop3A_234, %parallel_loop3A_235 : i32
      %parallel_loop3A_237 = arith.constant 0 : i32
      %parallel_loop3A_238 = arith.cmpi slt, %parallel_loop3A_234, %parallel_loop3A_237 : i32
      %parallel_loop3A_239 = arith.constant 0 : i32
      %parallel_loop3A_240 = arith.cmpi slt, %parallel_loop3A_233, %parallel_loop3A_239 : i32
      %parallel_loop3A_241 = arith.xori %parallel_loop3A_238, %parallel_loop3A_240 : i1
      %parallel_loop3A_242 = arith.andi %parallel_loop3A_241, %parallel_loop3A_236 : i1
      %parallel_loop3A_243 = arith.addi %parallel_loop3A_234, %parallel_loop3A_233 : i32
      %parallel_loop3A_244 = arith.select %parallel_loop3A_242, %parallel_loop3A_243, %parallel_loop3A_234 : i32
      %parallel_loop3A_245 = arith.constant 16 : i32
      %parallel_loop3A_246 = arith.muli %parallel_loop3A_244, %parallel_loop3A_245 : i32
      %parallel_loop3A_247 = arith.addi %parallel_loop3A_228, %parallel_loop3A_246 : i32
      %parallel_loop3A_248 = arith.constant 0.000000e+00 : f32
      %parallel_loop3A_249 = vector.broadcast %parallel_loop3A_248 : f32 to vector<16xf32>
      %parallel_loop3A_250 = arith.constant 0.000000e+00 : f32
      %parallel_loop3A_251 = vector.broadcast %parallel_loop3A_250 : f32 to vector<16xf32>
      %parallel_loop3A_252 = arith.constant 0 : i32
      %parallel_loop3A_253 = arith.addi %parallel_loop3A_252, %parallel_loop3A_247 : i32
      %parallel_loop3A_254 = arith.index_cast %parallel_loop3A_253 : i32 to index
      %parallel_loop3A_255 = tpu.vector_load %arg8[%parallel_loop3A_254] {strides = array<i32>} : memref<16384xf32, #tpu.memory_space<vmem>>, vector<16xf32>,
      %parallel_loop3A_256 = arith.index_cast %parallel_loop3A_253 : i32 to index
      %parallel_loop3A_257 = tpu.vector_load %arg10[%parallel_loop3A_256] {strides = array<i32>} : memref<16384xf32, #tpu.memory_space<vmem>>, vector<16xf32>,
      %parallel_loop3A_258 = arith.constant 0 : i32
      %parallel_loop3A_259 = vector.broadcast %parallel_loop3A_258 : i32 to vector<16xi32>
      %parallel_loop3A_260 = arith.addi %parallel_loop3A_202, %parallel_loop3A_259 : vector<16xi32>
      %parallel_loop3A_261 = tpu.vector_load_idx %arg9[%parallel_loop3A_260] : memref<32768xf32, #tpu.memory_space<vmem>>[vector<16xi32>], vector<16xf32>,
      %parallel_loop3A_262 = arith.mulf %parallel_loop3A_255, %parallel_loop3A_261 : vector<16xf32>
      %parallel_loop3A_263 = arith.mulf %parallel_loop3A_262, %parallel_loop3A_257 : vector<16xf32>
      %parallel_loop3A_264 = arith.addf %parallel_loop3A_249, %parallel_loop3A_263 : vector<16xf32>
      %parallel_loop3A_265 = arith.constant 128 : i32
      %parallel_loop3A_266 = arith.addi %parallel_loop3A_265, %parallel_loop3A_247 : i32
      %parallel_loop3A_267 = arith.index_cast %parallel_loop3A_266 : i32 to index
      %parallel_loop3A_268 = tpu.vector_load %arg8[%parallel_loop3A_267] {strides = array<i32>} : memref<16384xf32, #tpu.memory_space<vmem>>, vector<16xf32>,
      %parallel_loop3A_269 = arith.index_cast %parallel_loop3A_266 : i32 to index
      %parallel_loop3A_270 = tpu.vector_load %arg10[%parallel_loop3A_269] {strides = array<i32>} : memref<16384xf32, #tpu.memory_space<vmem>>, vector<16xf32>,
      %parallel_loop3A_271 = arith.constant 128 : i32
      %parallel_loop3A_272 = vector.broadcast %parallel_loop3A_271 : i32 to vector<16xi32>
      %parallel_loop3A_273 = arith.addi %parallel_loop3A_202, %parallel_loop3A_272 : vector<16xi32>
      %parallel_loop3A_274 = tpu.vector_load_idx %arg9[%parallel_loop3A_273] : memref<32768xf32, #tpu.memory_space<vmem>>[vector<16xi32>], vector<16xf32>,
      %parallel_loop3A_275 = arith.mulf %parallel_loop3A_268, %parallel_loop3A_274 : vector<16xf32>
      %parallel_loop3A_276 = arith.mulf %parallel_loop3A_275, %parallel_loop3A_270 : vector<16xf32>
      %parallel_loop3A_277 = arith.addf %parallel_loop3A_251, %parallel_loop3A_276 : vector<16xf32>
      %parallel_loop3A_278 = arith.constant 256 : i32
      %parallel_loop3A_279 = arith.addi %parallel_loop3A_278, %parallel_loop3A_247 : i32
      %parallel_loop3A_280 = arith.index_cast %parallel_loop3A_279 : i32 to index
      %parallel_loop3A_281 = tpu.vector_load %arg8[%parallel_loop3A_280] {strides = array<i32>} : memref<16384xf32, #tpu.memory_space<vmem>>, vector<16xf32>,
      %parallel_loop3A_282 = arith.index_cast %parallel_loop3A_279 : i32 to index
      %parallel_loop3A_283 = tpu.vector_load %arg10[%parallel_loop3A_282] {strides = array<i32>} : memref<16384xf32, #tpu.memory_space<vmem>>, vector<16xf32>,
      %parallel_loop3A_284 = arith.constant 256 : i32
      %parallel_loop3A_285 = vector.broadcast %parallel_loop3A_284 : i32 to vector<16xi32>
      %parallel_loop3A_286 = arith.addi %parallel_loop3A_202, %parallel_loop3A_285 : vector<16xi32>
      %parallel_loop3A_287 = tpu.vector_load_idx %arg9[%parallel_loop3A_286] : memref<32768xf32, #tpu.memory_space<vmem>>[vector<16xi32>], vector<16xf32>,
      %parallel_loop3A_288 = arith.mulf %parallel_loop3A_281, %parallel_loop3A_287 : vector<16xf32>
      %parallel_loop3A_289 = arith.mulf %parallel_loop3A_288, %parallel_loop3A_283 : vector<16xf32>
      %parallel_loop3A_290 = arith.addf %parallel_loop3A_264, %parallel_loop3A_289 : vector<16xf32>
      %parallel_loop3A_291 = arith.constant 384 : i32
      %parallel_loop3A_292 = arith.addi %parallel_loop3A_291, %parallel_loop3A_247 : i32
      %parallel_loop3A_293 = arith.index_cast %parallel_loop3A_292 : i32 to index
      %parallel_loop3A_294 = tpu.vector_load %arg8[%parallel_loop3A_293] {strides = array<i32>} : memref<16384xf32, #tpu.memory_space<vmem>>, vector<16xf32>,
      %parallel_loop3A_295 = arith.index_cast %parallel_loop3A_292 : i32 to index
      %parallel_loop3A_296 = tpu.vector_load %arg10[%parallel_loop3A_295] {strides = array<i32>} : memref<16384xf32, #tpu.memory_space<vmem>>, vector<16xf32>,
      %parallel_loop3A_297 = arith.constant 384 : i32
      %parallel_loop3A_298 = vector.broadcast %parallel_loop3A_297 : i32 to vector<16xi32>
      %parallel_loop3A_299 = arith.addi %parallel_loop3A_202, %parallel_loop3A_298 : vector<16xi32>
      %parallel_loop3A_300 = tpu.vector_load_idx %arg9[%parallel_loop3A_299] : memref<32768xf32, #tpu.memory_space<vmem>>[vector<16xi32>], vector<16xf32>,
      %parallel_loop3A_301 = arith.mulf %parallel_loop3A_294, %parallel_loop3A_300 : vector<16xf32>
      %parallel_loop3A_302 = arith.mulf %parallel_loop3A_301, %parallel_loop3A_296 : vector<16xf32>
      %parallel_loop3A_303 = arith.addf %parallel_loop3A_277, %parallel_loop3A_302 : vector<16xf32>
      %parallel_loop3A_304 = arith.constant 512 : i32
      %parallel_loop3A_305 = arith.addi %parallel_loop3A_304, %parallel_loop3A_247 : i32
      %parallel_loop3A_306 = arith.index_cast %parallel_loop3A_305 : i32 to index
      %parallel_loop3A_307 = tpu.vector_load %arg8[%parallel_loop3A_306] {strides = array<i32>} : memref<16384xf32, #tpu.memory_space<vmem>>, vector<16xf32>,
      %parallel_loop3A_308 = arith.index_cast %parallel_loop3A_305 : i32 to index
      %parallel_loop3A_309 = tpu.vector_load %arg10[%parallel_loop3A_308] {strides = array<i32>} : memref<16384xf32, #tpu.memory_space<vmem>>, vector<16xf32>,
      %parallel_loop3A_310 = arith.constant 512 : i32
      %parallel_loop3A_311 = vector.broadcast %parallel_loop3A_310 : i32 to vector<16xi32>
      %parallel_loop3A_312 = arith.addi %parallel_loop3A_202, %parallel_loop3A_311 : vector<16xi32>
      %parallel_loop3A_313 = tpu.vector_load_idx %arg9[%parallel_loop3A_312] : memref<32768xf32, #tpu.memory_space<vmem>>[vector<16xi32>], vector<16xf32>,
      %parallel_loop3A_314 = arith.mulf %parallel_loop3A_307, %parallel_loop3A_313 : vector<16xf32>
      %parallel_loop3A_315 = arith.mulf %parallel_loop3A_314, %parallel_loop3A_309 : vector<16xf32>
      %parallel_loop3A_316 = arith.addf %parallel_loop3A_290, %parallel_loop3A_315 : vector<16xf32>
      %parallel_loop3A_317 = arith.constant 640 : i32
      %parallel_loop3A_318 = arith.addi %parallel_loop3A_317, %parallel_loop3A_247 : i32
      %parallel_loop3A_319 = arith.index_cast %parallel_loop3A_318 : i32 to index
      %parallel_loop3A_320 = tpu.vector_load %arg8[%parallel_loop3A_319] {strides = array<i32>} : memref<16384xf32, #tpu.memory_space<vmem>>, vector<16xf32>,
      %parallel_loop3A_321 = arith.index_cast %parallel_loop3A_318 : i32 to index
      %parallel_loop3A_322 = tpu.vector_load %arg10[%parallel_loop3A_321] {strides = array<i32>} : memref<16384xf32, #tpu.memory_space<vmem>>, vector<16xf32>,
      %parallel_loop3A_323 = arith.constant 640 : i32
      %parallel_loop3A_324 = vector.broadcast %parallel_loop3A_323 : i32 to vector<16xi32>
      %parallel_loop3A_325 = arith.addi %parallel_loop3A_202, %parallel_loop3A_324 : vector<16xi32>
      %parallel_loop3A_326 = tpu.vector_load_idx %arg9[%parallel_loop3A_325] : memref<32768xf32, #tpu.memory_space<vmem>>[vector<16xi32>], vector<16xf32>,
      %parallel_loop3A_327 = arith.mulf %parallel_loop3A_320, %parallel_loop3A_326 : vector<16xf32>
      %parallel_loop3A_328 = arith.mulf %parallel_loop3A_327, %parallel_loop3A_322 : vector<16xf32>
      %parallel_loop3A_329 = arith.addf %parallel_loop3A_303, %parallel_loop3A_328 : vector<16xf32>
      %parallel_loop3A_330 = arith.constant 768 : i32
      %parallel_loop3A_331 = arith.addi %parallel_loop3A_330, %parallel_loop3A_247 : i32
      %parallel_loop3A_332 = arith.index_cast %parallel_loop3A_331 : i32 to index
      %parallel_loop3A_333 = tpu.vector_load %arg8[%parallel_loop3A_332] {strides = array<i32>} : memref<16384xf32, #tpu.memory_space<vmem>>, vector<16xf32>,
      %parallel_loop3A_334 = arith.index_cast %parallel_loop3A_331 : i32 to index
      %parallel_loop3A_335 = tpu.vector_load %arg10[%parallel_loop3A_334] {strides = array<i32>} : memref<16384xf32, #tpu.memory_space<vmem>>, vector<16xf32>,
      %parallel_loop3A_336 = arith.constant 768 : i32
      %parallel_loop3A_337 = vector.broadcast %parallel_loop3A_336 : i32 to vector<16xi32>
      %parallel_loop3A_338 = arith.addi %parallel_loop3A_202, %parallel_loop3A_337 : vector<16xi32>
      %parallel_loop3A_339 = tpu.vector_load_idx %arg9[%parallel_loop3A_338] : memref<32768xf32, #tpu.memory_space<vmem>>[vector<16xi32>], vector<16xf32>,
      %parallel_loop3A_340 = arith.mulf %parallel_loop3A_333, %parallel_loop3A_339 : vector<16xf32>
      %parallel_loop3A_341 = arith.mulf %parallel_loop3A_340, %parallel_loop3A_335 : vector<16xf32>
      %parallel_loop3A_342 = arith.addf %parallel_loop3A_316, %parallel_loop3A_341 : vector<16xf32>
      %parallel_loop3A_343 = arith.constant 896 : i32
      %parallel_loop3A_344 = arith.addi %parallel_loop3A_343, %parallel_loop3A_247 : i32
      %parallel_loop3A_345 = arith.index_cast %parallel_loop3A_344 : i32 to index
      %parallel_loop3A_346 = tpu.vector_load %arg8[%parallel_loop3A_345] {strides = array<i32>} : memref<16384xf32, #tpu.memory_space<vmem>>, vector<16xf32>,
      %parallel_loop3A_347 = arith.index_cast %parallel_loop3A_344 : i32 to index
      %parallel_loop3A_348 = tpu.vector_load %arg10[%parallel_loop3A_347] {strides = array<i32>} : memref<16384xf32, #tpu.memory_space<vmem>>, vector<16xf32>,
      %parallel_loop3A_349 = arith.constant 896 : i32
      %parallel_loop3A_350 = vector.broadcast %parallel_loop3A_349 : i32 to vector<16xi32>
      %parallel_loop3A_351 = arith.addi %parallel_loop3A_202, %parallel_loop3A_350 : vector<16xi32>
      %parallel_loop3A_352 = tpu.vector_load_idx %arg9[%parallel_loop3A_351] : memref<32768xf32, #tpu.memory_space<vmem>>[vector<16xi32>], vector<16xf32>,
      %parallel_loop3A_353 = arith.mulf %parallel_loop3A_346, %parallel_loop3A_352 : vector<16xf32>
      %parallel_loop3A_354 = arith.mulf %parallel_loop3A_353, %parallel_loop3A_348 : vector<16xf32>
      %parallel_loop3A_355 = arith.addf %parallel_loop3A_329, %parallel_loop3A_354 : vector<16xf32>
      %parallel_loop3A_356 = arith.addf %parallel_loop3A_342, %parallel_loop3A_355 : vector<16xf32>
      %parallel_loop3A_357 = arith.constant 16 : i32
      %parallel_loop3A_358 = arith.muli %parallel_loop3A_188, %parallel_loop3A_357 : i32
      %parallel_loop3A_359 = arith.index_cast %parallel_loop3A_358 : i32 to index
      %parallel_loop3A_360 = tpu.vector_load %arg11[%parallel_loop3A_359] {strides = array<i32>} : memref<512xf32, #tpu.memory_space<vmem>>, vector<16xf32>,
      tpu.vector_store %arg11[%parallel_loop3A_359], %parallel_loop3A_356 {strides = array<i32>} : memref<512xf32, #tpu.memory_space<vmem>>, vector<16xf32>,
    } {sc.loop_unroll_factor = 2 : i64, sc.parallel_access}
    %dma_wait3A_119 = arith.constant 8192 : i32
    %dma_wait3A_120 = tpu.memref_slice %arg9[%dma_wait3A_119] : memref<32768xf32, #tpu.memory_space<vmem>> -> memref<8192xf32, #tpu.memory_space<vmem>>
    %dma_wait3A_121 = arith.constant 8192 : i32
    %dma_wait3A_122 = tpu.memref_slice %arg5[%dma_wait3A_121] : memref<32768xf32, #tpu.memory_space<hbm>> -> memref<8192xf32, #tpu.memory_space<hbm>>
    %dma_wait3A_123 = arith.constant 8192 : i32
    %dma_wait3A_124 = tpu.memref_slice %arg9[%dma_wait3A_123] : memref<32768xf32, #tpu.memory_space<vmem>> -> memref<8192xf32, #tpu.memory_space<vmem>>
    %dma_wait3A_125 = arith.constant 8192 : i32
    %dma_wait3A_126 = tpu.memref_slice %arg5[%dma_wait3A_125] : memref<32768xf32, #tpu.memory_space<hbm>> -> memref<8192xf32, #tpu.memory_space<hbm>>
    tpu.wait_dma2 semaphore(%arg13 : memref<!tpu.dma_semaphore, #tpu.memory_space<semaphore_mem>>) src(%dma_wait3A_126 : memref<8192xf32, #tpu.memory_space<hbm>>) dst(%dma_wait3A_124 : memref<8192xf32, #tpu.memory_space<vmem>>)
    %dma_wait3A_127 = arith.constant 4096 : i32
    %dma_wait3A_128 = tpu.memref_slice %arg8[%dma_wait3A_127] : memref<16384xf32, #tpu.memory_space<vmem>> -> memref<4096xf32, #tpu.memory_space<vmem>>
    %dma_wait3A_129 = tpu.memref_slice %arg2[%add3A_29] : memref<524288xf32, #tpu.memory_space<hbm>> -> memref<4096xf32, #tpu.memory_space<hbm>>
    %dma_wait3A_130 = arith.constant 4096 : i32
    %dma_wait3A_131 = tpu.memref_slice %arg8[%dma_wait3A_130] : memref<16384xf32, #tpu.memory_space<vmem>> -> memref<4096xf32, #tpu.memory_space<vmem>>
    %dma_wait3A_132 = tpu.memref_slice %arg2[%add3A_29] : memref<524288xf32, #tpu.memory_space<hbm>> -> memref<4096xf32, #tpu.memory_space<hbm>>
    tpu.wait_dma2 semaphore(%arg13 : memref<!tpu.dma_semaphore, #tpu.memory_space<semaphore_mem>>) src(%dma_wait3A_132 : memref<4096xf32, #tpu.memory_space<hbm>>) dst(%dma_wait3A_131 : memref<4096xf32, #tpu.memory_space<vmem>>)
    %dma_wait3A_133 = arith.constant 4096 : i32
    %dma_wait3A_134 = tpu.memref_slice %arg10[%dma_wait3A_133] : memref<16384xf32, #tpu.memory_space<vmem>> -> memref<4096xf32, #tpu.memory_space<vmem>>
    %dma_wait3A_135 = tpu.memref_slice %arg4[%add3A_29] : memref<524288xf32, #tpu.memory_space<hbm>> -> memref<4096xf32, #tpu.memory_space<hbm>>
    %dma_wait3A_136 = arith.constant 4096 : i32
    %dma_wait3A_137 = tpu.memref_slice %arg10[%dma_wait3A_136] : memref<16384xf32, #tpu.memory_space<vmem>> -> memref<4096xf32, #tpu.memory_space<vmem>>
    %dma_wait3A_138 = tpu.memref_slice %arg4[%add3A_29] : memref<524288xf32, #tpu.memory_space<hbm>> -> memref<4096xf32, #tpu.memory_space<hbm>>
    tpu.wait_dma2 semaphore(%arg13 : memref<!tpu.dma_semaphore, #tpu.memory_space<semaphore_mem>>) src(%dma_wait3A_138 : memref<4096xf32, #tpu.memory_space<hbm>>) dst(%dma_wait3A_137 : memref<4096xf32, #tpu.memory_space<vmem>>)
    %parallel_loop3A_139 = arith.constant 0 : i32
    %parallel_loop3A_140 = arith.constant 32 : i32
    %parallel_loop3A_141 = arith.constant 1 : i32
    scf.for %parallel_loop3A_188 = %parallel_loop3A_139 to %parallel_loop3A_140 step %parallel_loop3A_141  : i32 {
      %parallel_loop3A_189 = arith.constant 16 : i32
      %parallel_loop3A_190 = arith.muli %parallel_loop3A_188, %parallel_loop3A_189 : i32
      %parallel_loop3A_191 = arith.index_cast %parallel_loop3A_190 : i32 to index
      %parallel_loop3A_192 = tpu.vector_load %arg7[%parallel_loop3A_191] {strides = array<i32>} : memref<512xi32, #tpu.memory_space<vmem>>, vector<16xi32>,
      %parallel_loop3A_193 = arith.constant 7 : i32
      %parallel_loop3A_194 = vector.broadcast %parallel_loop3A_193 : i32 to vector<16xi32>
      %parallel_loop3A_195 = arith.shrsi %parallel_loop3A_192, %parallel_loop3A_194 : vector<16xi32>
      %parallel_loop3A_196 = arith.constant 10 : i32
      %parallel_loop3A_197 = vector.broadcast %parallel_loop3A_196 : i32 to vector<16xi32>
      %parallel_loop3A_198 = arith.shli %parallel_loop3A_195, %parallel_loop3A_197 : vector<16xi32>
      %parallel_loop3A_199 = arith.constant 127 : i32
      %parallel_loop3A_200 = vector.broadcast %parallel_loop3A_199 : i32 to vector<16xi32>
      %parallel_loop3A_201 = arith.andi %parallel_loop3A_192, %parallel_loop3A_200 : vector<16xi32>
      %parallel_loop3A_202 = arith.addi %parallel_loop3A_198, %parallel_loop3A_201 : vector<16xi32>
      %parallel_loop3A_203 = arith.constant 8 : i32
      %parallel_loop3A_204 = arith.divsi %parallel_loop3A_188, %parallel_loop3A_203 : i32
      %parallel_loop3A_205 = arith.constant 0 : i32
      %parallel_loop3A_206 = arith.cmpi sgt, %parallel_loop3A_188, %parallel_loop3A_205 : i32
      %parallel_loop3A_207 = arith.extui %parallel_loop3A_206 : i1 to i32
      %parallel_loop3A_208 = arith.constant 0 : i32
      %parallel_loop3A_209 = arith.cmpi slt, %parallel_loop3A_188, %parallel_loop3A_208 : i32
      %parallel_loop3A_210 = arith.extui %parallel_loop3A_209 : i1 to i32
      %parallel_loop3A_211 = arith.subi %parallel_loop3A_207, %parallel_loop3A_210 : i32
      %parallel_loop3A_212 = arith.constant 0 : i32
      %parallel_loop3A_213 = arith.cmpi sgt, %parallel_loop3A_203, %parallel_loop3A_212 : i32
      %parallel_loop3A_214 = arith.extui %parallel_loop3A_213 : i1 to i32
      %parallel_loop3A_215 = arith.constant 0 : i32
      %parallel_loop3A_216 = arith.cmpi slt, %parallel_loop3A_203, %parallel_loop3A_215 : i32
      %parallel_loop3A_217 = arith.extui %parallel_loop3A_216 : i1 to i32
      %parallel_loop3A_218 = arith.subi %parallel_loop3A_214, %parallel_loop3A_217 : i32
      %parallel_loop3A_219 = arith.cmpi ne, %parallel_loop3A_211, %parallel_loop3A_218 : i32
      %parallel_loop3A_220 = arith.remsi %parallel_loop3A_188, %parallel_loop3A_203 : i32
      %parallel_loop3A_221 = arith.constant 0 : i32
      %parallel_loop3A_222 = arith.cmpi ne, %parallel_loop3A_220, %parallel_loop3A_221 : i32
      %parallel_loop3A_223 = arith.andi %parallel_loop3A_219, %parallel_loop3A_222 : i1
      %parallel_loop3A_224 = arith.constant 1 : i32
      %parallel_loop3A_225 = arith.subi %parallel_loop3A_204, %parallel_loop3A_224 : i32
      %parallel_loop3A_226 = arith.select %parallel_loop3A_223, %parallel_loop3A_225, %parallel_loop3A_204 : i32
      %parallel_loop3A_227 = arith.constant 1024 : i32
      %parallel_loop3A_228 = arith.muli %parallel_loop3A_226, %parallel_loop3A_227 : i32
      %parallel_loop3A_229 = arith.constant 8 : i32
      %parallel_loop3A_230 = arith.constant 0 : i32
      %parallel_loop3A_231 = arith.cmpi eq, %parallel_loop3A_229, %parallel_loop3A_230 : i32
      %parallel_loop3A_232 = arith.constant 1 : i32
      %parallel_loop3A_233 = arith.select %parallel_loop3A_231, %parallel_loop3A_232, %parallel_loop3A_229 : i32
      %parallel_loop3A_234 = arith.remsi %parallel_loop3A_188, %parallel_loop3A_233 : i32
      %parallel_loop3A_235 = arith.constant 0 : i32
      %parallel_loop3A_236 = arith.cmpi ne, %parallel_loop3A_234, %parallel_loop3A_235 : i32
      %parallel_loop3A_237 = arith.constant 0 : i32
      %parallel_loop3A_238 = arith.cmpi slt, %parallel_loop3A_234, %parallel_loop3A_237 : i32
      %parallel_loop3A_239 = arith.constant 0 : i32
      %parallel_loop3A_240 = arith.cmpi slt, %parallel_loop3A_233, %parallel_loop3A_239 : i32
      %parallel_loop3A_241 = arith.xori %parallel_loop3A_238, %parallel_loop3A_240 : i1
      %parallel_loop3A_242 = arith.andi %parallel_loop3A_241, %parallel_loop3A_236 : i1
      %parallel_loop3A_243 = arith.addi %parallel_loop3A_234, %parallel_loop3A_233 : i32
      %parallel_loop3A_244 = arith.select %parallel_loop3A_242, %parallel_loop3A_243, %parallel_loop3A_234 : i32
      %parallel_loop3A_245 = arith.constant 16 : i32
      %parallel_loop3A_246 = arith.muli %parallel_loop3A_244, %parallel_loop3A_245 : i32
      %parallel_loop3A_247 = arith.addi %parallel_loop3A_228, %parallel_loop3A_246 : i32
      %parallel_loop3A_248 = arith.constant 0.000000e+00 : f32
      %parallel_loop3A_249 = vector.broadcast %parallel_loop3A_248 : f32 to vector<16xf32>
      %parallel_loop3A_250 = arith.constant 0.000000e+00 : f32
      %parallel_loop3A_251 = vector.broadcast %parallel_loop3A_250 : f32 to vector<16xf32>
      %parallel_loop3A_252 = arith.constant 4096 : i32
      %parallel_loop3A_253 = arith.addi %parallel_loop3A_252, %parallel_loop3A_247 : i32
      %parallel_loop3A_254 = arith.index_cast %parallel_loop3A_253 : i32 to index
      %parallel_loop3A_255 = tpu.vector_load %arg8[%parallel_loop3A_254] {strides = array<i32>} : memref<16384xf32, #tpu.memory_space<vmem>>, vector<16xf32>,
      %parallel_loop3A_256 = arith.index_cast %parallel_loop3A_253 : i32 to index
      %parallel_loop3A_257 = tpu.vector_load %arg10[%parallel_loop3A_256] {strides = array<i32>} : memref<16384xf32, #tpu.memory_space<vmem>>, vector<16xf32>,
      %parallel_loop3A_258 = arith.constant 8192 : i32
      %parallel_loop3A_259 = vector.broadcast %parallel_loop3A_258 : i32 to vector<16xi32>
      %parallel_loop3A_260 = arith.addi %parallel_loop3A_202, %parallel_loop3A_259 : vector<16xi32>
      %parallel_loop3A_261 = tpu.vector_load_idx %arg9[%parallel_loop3A_260] : memref<32768xf32, #tpu.memory_space<vmem>>[vector<16xi32>], vector<16xf32>,
      %parallel_loop3A_262 = arith.mulf %parallel_loop3A_255, %parallel_loop3A_261 : vector<16xf32>
      %parallel_loop3A_263 = arith.mulf %parallel_loop3A_262, %parallel_loop3A_257 : vector<16xf32>
      %parallel_loop3A_264 = arith.addf %parallel_loop3A_249, %parallel_loop3A_263 : vector<16xf32>
      %parallel_loop3A_265 = arith.constant 4224 : i32
      %parallel_loop3A_266 = arith.addi %parallel_loop3A_265, %parallel_loop3A_247 : i32
      %parallel_loop3A_267 = arith.index_cast %parallel_loop3A_266 : i32 to index
      %parallel_loop3A_268 = tpu.vector_load %arg8[%parallel_loop3A_267] {strides = array<i32>} : memref<16384xf32, #tpu.memory_space<vmem>>, vector<16xf32>,
      %parallel_loop3A_269 = arith.index_cast %parallel_loop3A_266 : i32 to index
      %parallel_loop3A_270 = tpu.vector_load %arg10[%parallel_loop3A_269] {strides = array<i32>} : memref<16384xf32, #tpu.memory_space<vmem>>, vector<16xf32>,
      %parallel_loop3A_271 = arith.constant 8320 : i32
      %parallel_loop3A_272 = vector.broadcast %parallel_loop3A_271 : i32 to vector<16xi32>
      %parallel_loop3A_273 = arith.addi %parallel_loop3A_202, %parallel_loop3A_272 : vector<16xi32>
      %parallel_loop3A_274 = tpu.vector_load_idx %arg9[%parallel_loop3A_273] : memref<32768xf32, #tpu.memory_space<vmem>>[vector<16xi32>], vector<16xf32>,
      %parallel_loop3A_275 = arith.mulf %parallel_loop3A_268, %parallel_loop3A_274 : vector<16xf32>
      %parallel_loop3A_276 = arith.mulf %parallel_loop3A_275, %parallel_loop3A_270 : vector<16xf32>
      %parallel_loop3A_277 = arith.addf %parallel_loop3A_251, %parallel_loop3A_276 : vector<16xf32>
      %parallel_loop3A_278 = arith.constant 4352 : i32
      %parallel_loop3A_279 = arith.addi %parallel_loop3A_278, %parallel_loop3A_247 : i32
      %parallel_loop3A_280 = arith.index_cast %parallel_loop3A_279 : i32 to index
      %parallel_loop3A_281 = tpu.vector_load %arg8[%parallel_loop3A_280] {strides = array<i32>} : memref<16384xf32, #tpu.memory_space<vmem>>, vector<16xf32>,
      %parallel_loop3A_282 = arith.index_cast %parallel_loop3A_279 : i32 to index
      %parallel_loop3A_283 = tpu.vector_load %arg10[%parallel_loop3A_282] {strides = array<i32>} : memref<16384xf32, #tpu.memory_space<vmem>>, vector<16xf32>,
      %parallel_loop3A_284 = arith.constant 8448 : i32
      %parallel_loop3A_285 = vector.broadcast %parallel_loop3A_284 : i32 to vector<16xi32>
      %parallel_loop3A_286 = arith.addi %parallel_loop3A_202, %parallel_loop3A_285 : vector<16xi32>
      %parallel_loop3A_287 = tpu.vector_load_idx %arg9[%parallel_loop3A_286] : memref<32768xf32, #tpu.memory_space<vmem>>[vector<16xi32>], vector<16xf32>,
      %parallel_loop3A_288 = arith.mulf %parallel_loop3A_281, %parallel_loop3A_287 : vector<16xf32>
      %parallel_loop3A_289 = arith.mulf %parallel_loop3A_288, %parallel_loop3A_283 : vector<16xf32>
      %parallel_loop3A_290 = arith.addf %parallel_loop3A_264, %parallel_loop3A_289 : vector<16xf32>
      %parallel_loop3A_291 = arith.constant 4480 : i32
      %parallel_loop3A_292 = arith.addi %parallel_loop3A_291, %parallel_loop3A_247 : i32
      %parallel_loop3A_293 = arith.index_cast %parallel_loop3A_292 : i32 to index
      %parallel_loop3A_294 = tpu.vector_load %arg8[%parallel_loop3A_293] {strides = array<i32>} : memref<16384xf32, #tpu.memory_space<vmem>>, vector<16xf32>,
      %parallel_loop3A_295 = arith.index_cast %parallel_loop3A_292 : i32 to index
      %parallel_loop3A_296 = tpu.vector_load %arg10[%parallel_loop3A_295] {strides = array<i32>} : memref<16384xf32, #tpu.memory_space<vmem>>, vector<16xf32>,
      %parallel_loop3A_297 = arith.constant 8576 : i32
      %parallel_loop3A_298 = vector.broadcast %parallel_loop3A_297 : i32 to vector<16xi32>
      %parallel_loop3A_299 = arith.addi %parallel_loop3A_202, %parallel_loop3A_298 : vector<16xi32>
      %parallel_loop3A_300 = tpu.vector_load_idx %arg9[%parallel_loop3A_299] : memref<32768xf32, #tpu.memory_space<vmem>>[vector<16xi32>], vector<16xf32>,
      %parallel_loop3A_301 = arith.mulf %parallel_loop3A_294, %parallel_loop3A_300 : vector<16xf32>
      %parallel_loop3A_302 = arith.mulf %parallel_loop3A_301, %parallel_loop3A_296 : vector<16xf32>
      %parallel_loop3A_303 = arith.addf %parallel_loop3A_277, %parallel_loop3A_302 : vector<16xf32>
      %parallel_loop3A_304 = arith.constant 4608 : i32
      %parallel_loop3A_305 = arith.addi %parallel_loop3A_304, %parallel_loop3A_247 : i32
      %parallel_loop3A_306 = arith.index_cast %parallel_loop3A_305 : i32 to index
      %parallel_loop3A_307 = tpu.vector_load %arg8[%parallel_loop3A_306] {strides = array<i32>} : memref<16384xf32, #tpu.memory_space<vmem>>, vector<16xf32>,
      %parallel_loop3A_308 = arith.index_cast %parallel_loop3A_305 : i32 to index
      %parallel_loop3A_309 = tpu.vector_load %arg10[%parallel_loop3A_308] {strides = array<i32>} : memref<16384xf32, #tpu.memory_space<vmem>>, vector<16xf32>,
      %parallel_loop3A_310 = arith.constant 8704 : i32
      %parallel_loop3A_311 = vector.broadcast %parallel_loop3A_310 : i32 to vector<16xi32>
      %parallel_loop3A_312 = arith.addi %parallel_loop3A_202, %parallel_loop3A_311 : vector<16xi32>
      %parallel_loop3A_313 = tpu.vector_load_idx %arg9[%parallel_loop3A_312] : memref<32768xf32, #tpu.memory_space<vmem>>[vector<16xi32>], vector<16xf32>,
      %parallel_loop3A_314 = arith.mulf %parallel_loop3A_307, %parallel_loop3A_313 : vector<16xf32>
      %parallel_loop3A_315 = arith.mulf %parallel_loop3A_314, %parallel_loop3A_309 : vector<16xf32>
      %parallel_loop3A_316 = arith.addf %parallel_loop3A_290, %parallel_loop3A_315 : vector<16xf32>
      %parallel_loop3A_317 = arith.constant 4736 : i32
      %parallel_loop3A_318 = arith.addi %parallel_loop3A_317, %parallel_loop3A_247 : i32
      %parallel_loop3A_319 = arith.index_cast %parallel_loop3A_318 : i32 to index
      %parallel_loop3A_320 = tpu.vector_load %arg8[%parallel_loop3A_319] {strides = array<i32>} : memref<16384xf32, #tpu.memory_space<vmem>>, vector<16xf32>,
      %parallel_loop3A_321 = arith.index_cast %parallel_loop3A_318 : i32 to index
      %parallel_loop3A_322 = tpu.vector_load %arg10[%parallel_loop3A_321] {strides = array<i32>} : memref<16384xf32, #tpu.memory_space<vmem>>, vector<16xf32>,
      %parallel_loop3A_323 = arith.constant 8832 : i32
      %parallel_loop3A_324 = vector.broadcast %parallel_loop3A_323 : i32 to vector<16xi32>
      %parallel_loop3A_325 = arith.addi %parallel_loop3A_202, %parallel_loop3A_324 : vector<16xi32>
      %parallel_loop3A_326 = tpu.vector_load_idx %arg9[%parallel_loop3A_325] : memref<32768xf32, #tpu.memory_space<vmem>>[vector<16xi32>], vector<16xf32>,
      %parallel_loop3A_327 = arith.mulf %parallel_loop3A_320, %parallel_loop3A_326 : vector<16xf32>
      %parallel_loop3A_328 = arith.mulf %parallel_loop3A_327, %parallel_loop3A_322 : vector<16xf32>
      %parallel_loop3A_329 = arith.addf %parallel_loop3A_303, %parallel_loop3A_328 : vector<16xf32>
      %parallel_loop3A_330 = arith.constant 4864 : i32
      %parallel_loop3A_331 = arith.addi %parallel_loop3A_330, %parallel_loop3A_247 : i32
      %parallel_loop3A_332 = arith.index_cast %parallel_loop3A_331 : i32 to index
      %parallel_loop3A_333 = tpu.vector_load %arg8[%parallel_loop3A_332] {strides = array<i32>} : memref<16384xf32, #tpu.memory_space<vmem>>, vector<16xf32>,
      %parallel_loop3A_334 = arith.index_cast %parallel_loop3A_331 : i32 to index
      %parallel_loop3A_335 = tpu.vector_load %arg10[%parallel_loop3A_334] {strides = array<i32>} : memref<16384xf32, #tpu.memory_space<vmem>>, vector<16xf32>,
      %parallel_loop3A_336 = arith.constant 8960 : i32
      %parallel_loop3A_337 = vector.broadcast %parallel_loop3A_336 : i32 to vector<16xi32>
      %parallel_loop3A_338 = arith.addi %parallel_loop3A_202, %parallel_loop3A_337 : vector<16xi32>
      %parallel_loop3A_339 = tpu.vector_load_idx %arg9[%parallel_loop3A_338] : memref<32768xf32, #tpu.memory_space<vmem>>[vector<16xi32>], vector<16xf32>,
      %parallel_loop3A_340 = arith.mulf %parallel_loop3A_333, %parallel_loop3A_339 : vector<16xf32>
      %parallel_loop3A_341 = arith.mulf %parallel_loop3A_340, %parallel_loop3A_335 : vector<16xf32>
      %parallel_loop3A_342 = arith.addf %parallel_loop3A_316, %parallel_loop3A_341 : vector<16xf32>
      %parallel_loop3A_343 = arith.constant 4992 : i32
      %parallel_loop3A_344 = arith.addi %parallel_loop3A_343, %parallel_loop3A_247 : i32
      %parallel_loop3A_345 = arith.index_cast %parallel_loop3A_344 : i32 to index
      %parallel_loop3A_346 = tpu.vector_load %arg8[%parallel_loop3A_345] {strides = array<i32>} : memref<16384xf32, #tpu.memory_space<vmem>>, vector<16xf32>,
      %parallel_loop3A_347 = arith.index_cast %parallel_loop3A_344 : i32 to index
      %parallel_loop3A_348 = tpu.vector_load %arg10[%parallel_loop3A_347] {strides = array<i32>} : memref<16384xf32, #tpu.memory_space<vmem>>, vector<16xf32>,
      %parallel_loop3A_349 = arith.constant 9088 : i32
      %parallel_loop3A_350 = vector.broadcast %parallel_loop3A_349 : i32 to vector<16xi32>
      %parallel_loop3A_351 = arith.addi %parallel_loop3A_202, %parallel_loop3A_350 : vector<16xi32>
      %parallel_loop3A_352 = tpu.vector_load_idx %arg9[%parallel_loop3A_351] : memref<32768xf32, #tpu.memory_space<vmem>>[vector<16xi32>], vector<16xf32>,
      %parallel_loop3A_353 = arith.mulf %parallel_loop3A_346, %parallel_loop3A_352 : vector<16xf32>
      %parallel_loop3A_354 = arith.mulf %parallel_loop3A_353, %parallel_loop3A_348 : vector<16xf32>
      %parallel_loop3A_355 = arith.addf %parallel_loop3A_329, %parallel_loop3A_354 : vector<16xf32>
      %parallel_loop3A_356 = arith.addf %parallel_loop3A_342, %parallel_loop3A_355 : vector<16xf32>
      %parallel_loop3A_357 = arith.constant 16 : i32
      %parallel_loop3A_358 = arith.muli %parallel_loop3A_188, %parallel_loop3A_357 : i32
      %parallel_loop3A_359 = arith.index_cast %parallel_loop3A_358 : i32 to index
      %parallel_loop3A_360 = tpu.vector_load %arg11[%parallel_loop3A_359] {strides = array<i32>} : memref<512xf32, #tpu.memory_space<vmem>>, vector<16xf32>,
      %parallel_loop3A_361 = arith.addf %parallel_loop3A_360, %parallel_loop3A_356 : vector<16xf32>
      %parallel_loop3A_362 = arith.index_cast %parallel_loop3A_358 : i32 to index
      %parallel_loop3A_363 = tpu.vector_load %arg11[%parallel_loop3A_362] {strides = array<i32>} : memref<512xf32, #tpu.memory_space<vmem>>, vector<16xf32>,
      tpu.vector_store %arg11[%parallel_loop3A_362], %parallel_loop3A_361 {strides = array<i32>} : memref<512xf32, #tpu.memory_space<vmem>>, vector<16xf32>,
    } {sc.loop_unroll_factor = 2 : i64, sc.parallel_access}
    %dma_wait3A_142 = arith.constant 16384 : i32
    %dma_wait3A_143 = tpu.memref_slice %arg9[%dma_wait3A_142] : memref<32768xf32, #tpu.memory_space<vmem>> -> memref<8192xf32, #tpu.memory_space<vmem>>
    %dma_wait3A_144 = arith.constant 16384 : i32
    %dma_wait3A_145 = tpu.memref_slice %arg5[%dma_wait3A_144] : memref<32768xf32, #tpu.memory_space<hbm>> -> memref<8192xf32, #tpu.memory_space<hbm>>
    %dma_wait3A_146 = arith.constant 16384 : i32
    %dma_wait3A_147 = tpu.memref_slice %arg9[%dma_wait3A_146] : memref<32768xf32, #tpu.memory_space<vmem>> -> memref<8192xf32, #tpu.memory_space<vmem>>
    %dma_wait3A_148 = arith.constant 16384 : i32
    %dma_wait3A_149 = tpu.memref_slice %arg5[%dma_wait3A_148] : memref<32768xf32, #tpu.memory_space<hbm>> -> memref<8192xf32, #tpu.memory_space<hbm>>
    tpu.wait_dma2 semaphore(%arg14 : memref<!tpu.dma_semaphore, #tpu.memory_space<semaphore_mem>>) src(%dma_wait3A_149 : memref<8192xf32, #tpu.memory_space<hbm>>) dst(%dma_wait3A_147 : memref<8192xf32, #tpu.memory_space<vmem>>)
    %dma_wait3A_150 = arith.constant 8192 : i32
    %dma_wait3A_151 = tpu.memref_slice %arg8[%dma_wait3A_150] : memref<16384xf32, #tpu.memory_space<vmem>> -> memref<4096xf32, #tpu.memory_space<vmem>>
    %dma_wait3A_152 = tpu.memref_slice %arg2[%add3A_53] : memref<524288xf32, #tpu.memory_space<hbm>> -> memref<4096xf32, #tpu.memory_space<hbm>>
    %dma_wait3A_153 = arith.constant 8192 : i32
    %dma_wait3A_154 = tpu.memref_slice %arg8[%dma_wait3A_153] : memref<16384xf32, #tpu.memory_space<vmem>> -> memref<4096xf32, #tpu.memory_space<vmem>>
    %dma_wait3A_155 = tpu.memref_slice %arg2[%add3A_53] : memref<524288xf32, #tpu.memory_space<hbm>> -> memref<4096xf32, #tpu.memory_space<hbm>>
    tpu.wait_dma2 semaphore(%arg14 : memref<!tpu.dma_semaphore, #tpu.memory_space<semaphore_mem>>) src(%dma_wait3A_155 : memref<4096xf32, #tpu.memory_space<hbm>>) dst(%dma_wait3A_154 : memref<4096xf32, #tpu.memory_space<vmem>>)
    %dma_wait3A_156 = arith.constant 8192 : i32
    %dma_wait3A_157 = tpu.memref_slice %arg10[%dma_wait3A_156] : memref<16384xf32, #tpu.memory_space<vmem>> -> memref<4096xf32, #tpu.memory_space<vmem>>
    %dma_wait3A_158 = tpu.memref_slice %arg4[%add3A_53] : memref<524288xf32, #tpu.memory_space<hbm>> -> memref<4096xf32, #tpu.memory_space<hbm>>
    %dma_wait3A_159 = arith.constant 8192 : i32
    %dma_wait3A_160 = tpu.memref_slice %arg10[%dma_wait3A_159] : memref<16384xf32, #tpu.memory_space<vmem>> -> memref<4096xf32, #tpu.memory_space<vmem>>
    %dma_wait3A_161 = tpu.memref_slice %arg4[%add3A_53] : memref<524288xf32, #tpu.memory_space<hbm>> -> memref<4096xf32, #tpu.memory_space<hbm>>
    tpu.wait_dma2 semaphore(%arg14 : memref<!tpu.dma_semaphore, #tpu.memory_space<semaphore_mem>>) src(%dma_wait3A_161 : memref<4096xf32, #tpu.memory_space<hbm>>) dst(%dma_wait3A_160 : memref<4096xf32, #tpu.memory_space<vmem>>)
    %parallel_loop3A_162 = arith.constant 0 : i32
    %parallel_loop3A_163 = arith.constant 32 : i32
    %parallel_loop3A_164 = arith.constant 1 : i32
    scf.for %parallel_loop3A_188 = %parallel_loop3A_162 to %parallel_loop3A_163 step %parallel_loop3A_164  : i32 {
      %parallel_loop3A_189 = arith.constant 16 : i32
      %parallel_loop3A_190 = arith.muli %parallel_loop3A_188, %parallel_loop3A_189 : i32
      %parallel_loop3A_191 = arith.index_cast %parallel_loop3A_190 : i32 to index
      %parallel_loop3A_192 = tpu.vector_load %arg7[%parallel_loop3A_191] {strides = array<i32>} : memref<512xi32, #tpu.memory_space<vmem>>, vector<16xi32>,
      %parallel_loop3A_193 = arith.constant 7 : i32
      %parallel_loop3A_194 = vector.broadcast %parallel_loop3A_193 : i32 to vector<16xi32>
      %parallel_loop3A_195 = arith.shrsi %parallel_loop3A_192, %parallel_loop3A_194 : vector<16xi32>
      %parallel_loop3A_196 = arith.constant 10 : i32
      %parallel_loop3A_197 = vector.broadcast %parallel_loop3A_196 : i32 to vector<16xi32>
      %parallel_loop3A_198 = arith.shli %parallel_loop3A_195, %parallel_loop3A_197 : vector<16xi32>
      %parallel_loop3A_199 = arith.constant 127 : i32
      %parallel_loop3A_200 = vector.broadcast %parallel_loop3A_199 : i32 to vector<16xi32>
      %parallel_loop3A_201 = arith.andi %parallel_loop3A_192, %parallel_loop3A_200 : vector<16xi32>
      %parallel_loop3A_202 = arith.addi %parallel_loop3A_198, %parallel_loop3A_201 : vector<16xi32>
      %parallel_loop3A_203 = arith.constant 8 : i32
      %parallel_loop3A_204 = arith.divsi %parallel_loop3A_188, %parallel_loop3A_203 : i32
      %parallel_loop3A_205 = arith.constant 0 : i32
      %parallel_loop3A_206 = arith.cmpi sgt, %parallel_loop3A_188, %parallel_loop3A_205 : i32
      %parallel_loop3A_207 = arith.extui %parallel_loop3A_206 : i1 to i32
      %parallel_loop3A_208 = arith.constant 0 : i32
      %parallel_loop3A_209 = arith.cmpi slt, %parallel_loop3A_188, %parallel_loop3A_208 : i32
      %parallel_loop3A_210 = arith.extui %parallel_loop3A_209 : i1 to i32
      %parallel_loop3A_211 = arith.subi %parallel_loop3A_207, %parallel_loop3A_210 : i32
      %parallel_loop3A_212 = arith.constant 0 : i32
      %parallel_loop3A_213 = arith.cmpi sgt, %parallel_loop3A_203, %parallel_loop3A_212 : i32
      %parallel_loop3A_214 = arith.extui %parallel_loop3A_213 : i1 to i32
      %parallel_loop3A_215 = arith.constant 0 : i32
      %parallel_loop3A_216 = arith.cmpi slt, %parallel_loop3A_203, %parallel_loop3A_215 : i32
      %parallel_loop3A_217 = arith.extui %parallel_loop3A_216 : i1 to i32
      %parallel_loop3A_218 = arith.subi %parallel_loop3A_214, %parallel_loop3A_217 : i32
      %parallel_loop3A_219 = arith.cmpi ne, %parallel_loop3A_211, %parallel_loop3A_218 : i32
      %parallel_loop3A_220 = arith.remsi %parallel_loop3A_188, %parallel_loop3A_203 : i32
      %parallel_loop3A_221 = arith.constant 0 : i32
      %parallel_loop3A_222 = arith.cmpi ne, %parallel_loop3A_220, %parallel_loop3A_221 : i32
      %parallel_loop3A_223 = arith.andi %parallel_loop3A_219, %parallel_loop3A_222 : i1
      %parallel_loop3A_224 = arith.constant 1 : i32
      %parallel_loop3A_225 = arith.subi %parallel_loop3A_204, %parallel_loop3A_224 : i32
      %parallel_loop3A_226 = arith.select %parallel_loop3A_223, %parallel_loop3A_225, %parallel_loop3A_204 : i32
      %parallel_loop3A_227 = arith.constant 1024 : i32
      %parallel_loop3A_228 = arith.muli %parallel_loop3A_226, %parallel_loop3A_227 : i32
      %parallel_loop3A_229 = arith.constant 8 : i32
      %parallel_loop3A_230 = arith.constant 0 : i32
      %parallel_loop3A_231 = arith.cmpi eq, %parallel_loop3A_229, %parallel_loop3A_230 : i32
      %parallel_loop3A_232 = arith.constant 1 : i32
      %parallel_loop3A_233 = arith.select %parallel_loop3A_231, %parallel_loop3A_232, %parallel_loop3A_229 : i32
      %parallel_loop3A_234 = arith.remsi %parallel_loop3A_188, %parallel_loop3A_233 : i32
      %parallel_loop3A_235 = arith.constant 0 : i32
      %parallel_loop3A_236 = arith.cmpi ne, %parallel_loop3A_234, %parallel_loop3A_235 : i32
      %parallel_loop3A_237 = arith.constant 0 : i32
      %parallel_loop3A_238 = arith.cmpi slt, %parallel_loop3A_234, %parallel_loop3A_237 : i32
      %parallel_loop3A_239 = arith.constant 0 : i32
      %parallel_loop3A_240 = arith.cmpi slt, %parallel_loop3A_233, %parallel_loop3A_239 : i32
      %parallel_loop3A_241 = arith.xori %parallel_loop3A_238, %parallel_loop3A_240 : i1
      %parallel_loop3A_242 = arith.andi %parallel_loop3A_241, %parallel_loop3A_236 : i1
      %parallel_loop3A_243 = arith.addi %parallel_loop3A_234, %parallel_loop3A_233 : i32
      %parallel_loop3A_244 = arith.select %parallel_loop3A_242, %parallel_loop3A_243, %parallel_loop3A_234 : i32
      %parallel_loop3A_245 = arith.constant 16 : i32
      %parallel_loop3A_246 = arith.muli %parallel_loop3A_244, %parallel_loop3A_245 : i32
      %parallel_loop3A_247 = arith.addi %parallel_loop3A_228, %parallel_loop3A_246 : i32
      %parallel_loop3A_248 = arith.constant 0.000000e+00 : f32
      %parallel_loop3A_249 = vector.broadcast %parallel_loop3A_248 : f32 to vector<16xf32>
      %parallel_loop3A_250 = arith.constant 0.000000e+00 : f32
      %parallel_loop3A_251 = vector.broadcast %parallel_loop3A_250 : f32 to vector<16xf32>
      %parallel_loop3A_252 = arith.constant 8192 : i32
      %parallel_loop3A_253 = arith.addi %parallel_loop3A_252, %parallel_loop3A_247 : i32
      %parallel_loop3A_254 = arith.index_cast %parallel_loop3A_253 : i32 to index
      %parallel_loop3A_255 = tpu.vector_load %arg8[%parallel_loop3A_254] {strides = array<i32>} : memref<16384xf32, #tpu.memory_space<vmem>>, vector<16xf32>,
      %parallel_loop3A_256 = arith.index_cast %parallel_loop3A_253 : i32 to index
      %parallel_loop3A_257 = tpu.vector_load %arg10[%parallel_loop3A_256] {strides = array<i32>} : memref<16384xf32, #tpu.memory_space<vmem>>, vector<16xf32>,
      %parallel_loop3A_258 = arith.constant 16384 : i32
      %parallel_loop3A_259 = vector.broadcast %parallel_loop3A_258 : i32 to vector<16xi32>
      %parallel_loop3A_260 = arith.addi %parallel_loop3A_202, %parallel_loop3A_259 : vector<16xi32>
      %parallel_loop3A_261 = tpu.vector_load_idx %arg9[%parallel_loop3A_260] : memref<32768xf32, #tpu.memory_space<vmem>>[vector<16xi32>], vector<16xf32>,
      %parallel_loop3A_262 = arith.mulf %parallel_loop3A_255, %parallel_loop3A_261 : vector<16xf32>
      %parallel_loop3A_263 = arith.mulf %parallel_loop3A_262, %parallel_loop3A_257 : vector<16xf32>
      %parallel_loop3A_264 = arith.addf %parallel_loop3A_249, %parallel_loop3A_263 : vector<16xf32>
      %parallel_loop3A_265 = arith.constant 8320 : i32
      %parallel_loop3A_266 = arith.addi %parallel_loop3A_265, %parallel_loop3A_247 : i32
      %parallel_loop3A_267 = arith.index_cast %parallel_loop3A_266 : i32 to index
      %parallel_loop3A_268 = tpu.vector_load %arg8[%parallel_loop3A_267] {strides = array<i32>} : memref<16384xf32, #tpu.memory_space<vmem>>, vector<16xf32>,
      %parallel_loop3A_269 = arith.index_cast %parallel_loop3A_266 : i32 to index
      %parallel_loop3A_270 = tpu.vector_load %arg10[%parallel_loop3A_269] {strides = array<i32>} : memref<16384xf32, #tpu.memory_space<vmem>>, vector<16xf32>,
      %parallel_loop3A_271 = arith.constant 16512 : i32
      %parallel_loop3A_272 = vector.broadcast %parallel_loop3A_271 : i32 to vector<16xi32>
      %parallel_loop3A_273 = arith.addi %parallel_loop3A_202, %parallel_loop3A_272 : vector<16xi32>
      %parallel_loop3A_274 = tpu.vector_load_idx %arg9[%parallel_loop3A_273] : memref<32768xf32, #tpu.memory_space<vmem>>[vector<16xi32>], vector<16xf32>,
      %parallel_loop3A_275 = arith.mulf %parallel_loop3A_268, %parallel_loop3A_274 : vector<16xf32>
      %parallel_loop3A_276 = arith.mulf %parallel_loop3A_275, %parallel_loop3A_270 : vector<16xf32>
      %parallel_loop3A_277 = arith.addf %parallel_loop3A_251, %parallel_loop3A_276 : vector<16xf32>
      %parallel_loop3A_278 = arith.constant 8448 : i32
      %parallel_loop3A_279 = arith.addi %parallel_loop3A_278, %parallel_loop3A_247 : i32
      %parallel_loop3A_280 = arith.index_cast %parallel_loop3A_279 : i32 to index
      %parallel_loop3A_281 = tpu.vector_load %arg8[%parallel_loop3A_280] {strides = array<i32>} : memref<16384xf32, #tpu.memory_space<vmem>>, vector<16xf32>,
      %parallel_loop3A_282 = arith.index_cast %parallel_loop3A_279 : i32 to index
      %parallel_loop3A_283 = tpu.vector_load %arg10[%parallel_loop3A_282] {strides = array<i32>} : memref<16384xf32, #tpu.memory_space<vmem>>, vector<16xf32>,
      %parallel_loop3A_284 = arith.constant 16640 : i32
      %parallel_loop3A_285 = vector.broadcast %parallel_loop3A_284 : i32 to vector<16xi32>
      %parallel_loop3A_286 = arith.addi %parallel_loop3A_202, %parallel_loop3A_285 : vector<16xi32>
      %parallel_loop3A_287 = tpu.vector_load_idx %arg9[%parallel_loop3A_286] : memref<32768xf32, #tpu.memory_space<vmem>>[vector<16xi32>], vector<16xf32>,
      %parallel_loop3A_288 = arith.mulf %parallel_loop3A_281, %parallel_loop3A_287 : vector<16xf32>
      %parallel_loop3A_289 = arith.mulf %parallel_loop3A_288, %parallel_loop3A_283 : vector<16xf32>
      %parallel_loop3A_290 = arith.addf %parallel_loop3A_264, %parallel_loop3A_289 : vector<16xf32>
      %parallel_loop3A_291 = arith.constant 8576 : i32
      %parallel_loop3A_292 = arith.addi %parallel_loop3A_291, %parallel_loop3A_247 : i32
      %parallel_loop3A_293 = arith.index_cast %parallel_loop3A_292 : i32 to index
      %parallel_loop3A_294 = tpu.vector_load %arg8[%parallel_loop3A_293] {strides = array<i32>} : memref<16384xf32, #tpu.memory_space<vmem>>, vector<16xf32>,
      %parallel_loop3A_295 = arith.index_cast %parallel_loop3A_292 : i32 to index
      %parallel_loop3A_296 = tpu.vector_load %arg10[%parallel_loop3A_295] {strides = array<i32>} : memref<16384xf32, #tpu.memory_space<vmem>>, vector<16xf32>,
      %parallel_loop3A_297 = arith.constant 16768 : i32
      %parallel_loop3A_298 = vector.broadcast %parallel_loop3A_297 : i32 to vector<16xi32>
      %parallel_loop3A_299 = arith.addi %parallel_loop3A_202, %parallel_loop3A_298 : vector<16xi32>
      %parallel_loop3A_300 = tpu.vector_load_idx %arg9[%parallel_loop3A_299] : memref<32768xf32, #tpu.memory_space<vmem>>[vector<16xi32>], vector<16xf32>,
      %parallel_loop3A_301 = arith.mulf %parallel_loop3A_294, %parallel_loop3A_300 : vector<16xf32>
      %parallel_loop3A_302 = arith.mulf %parallel_loop3A_301, %parallel_loop3A_296 : vector<16xf32>
      %parallel_loop3A_303 = arith.addf %parallel_loop3A_277, %parallel_loop3A_302 : vector<16xf32>
      %parallel_loop3A_304 = arith.constant 8704 : i32
      %parallel_loop3A_305 = arith.addi %parallel_loop3A_304, %parallel_loop3A_247 : i32
      %parallel_loop3A_306 = arith.index_cast %parallel_loop3A_305 : i32 to index
      %parallel_loop3A_307 = tpu.vector_load %arg8[%parallel_loop3A_306] {strides = array<i32>} : memref<16384xf32, #tpu.memory_space<vmem>>, vector<16xf32>,
      %parallel_loop3A_308 = arith.index_cast %parallel_loop3A_305 : i32 to index
      %parallel_loop3A_309 = tpu.vector_load %arg10[%parallel_loop3A_308] {strides = array<i32>} : memref<16384xf32, #tpu.memory_space<vmem>>, vector<16xf32>,
      %parallel_loop3A_310 = arith.constant 16896 : i32
      %parallel_loop3A_311 = vector.broadcast %parallel_loop3A_310 : i32 to vector<16xi32>
      %parallel_loop3A_312 = arith.addi %parallel_loop3A_202, %parallel_loop3A_311 : vector<16xi32>
      %parallel_loop3A_313 = tpu.vector_load_idx %arg9[%parallel_loop3A_312] : memref<32768xf32, #tpu.memory_space<vmem>>[vector<16xi32>], vector<16xf32>,
      %parallel_loop3A_314 = arith.mulf %parallel_loop3A_307, %parallel_loop3A_313 : vector<16xf32>
      %parallel_loop3A_315 = arith.mulf %parallel_loop3A_314, %parallel_loop3A_309 : vector<16xf32>
      %parallel_loop3A_316 = arith.addf %parallel_loop3A_290, %parallel_loop3A_315 : vector<16xf32>
      %parallel_loop3A_317 = arith.constant 8832 : i32
      %parallel_loop3A_318 = arith.addi %parallel_loop3A_317, %parallel_loop3A_247 : i32
      %parallel_loop3A_319 = arith.index_cast %parallel_loop3A_318 : i32 to index
      %parallel_loop3A_320 = tpu.vector_load %arg8[%parallel_loop3A_319] {strides = array<i32>} : memref<16384xf32, #tpu.memory_space<vmem>>, vector<16xf32>,
      %parallel_loop3A_321 = arith.index_cast %parallel_loop3A_318 : i32 to index
      %parallel_loop3A_322 = tpu.vector_load %arg10[%parallel_loop3A_321] {strides = array<i32>} : memref<16384xf32, #tpu.memory_space<vmem>>, vector<16xf32>,
      %parallel_loop3A_323 = arith.constant 17024 : i32
      %parallel_loop3A_324 = vector.broadcast %parallel_loop3A_323 : i32 to vector<16xi32>
      %parallel_loop3A_325 = arith.addi %parallel_loop3A_202, %parallel_loop3A_324 : vector<16xi32>
      %parallel_loop3A_326 = tpu.vector_load_idx %arg9[%parallel_loop3A_325] : memref<32768xf32, #tpu.memory_space<vmem>>[vector<16xi32>], vector<16xf32>,
      %parallel_loop3A_327 = arith.mulf %parallel_loop3A_320, %parallel_loop3A_326 : vector<16xf32>
      %parallel_loop3A_328 = arith.mulf %parallel_loop3A_327, %parallel_loop3A_322 : vector<16xf32>
      %parallel_loop3A_329 = arith.addf %parallel_loop3A_303, %parallel_loop3A_328 : vector<16xf32>
      %parallel_loop3A_330 = arith.constant 8960 : i32
      %parallel_loop3A_331 = arith.addi %parallel_loop3A_330, %parallel_loop3A_247 : i32
      %parallel_loop3A_332 = arith.index_cast %parallel_loop3A_331 : i32 to index
      %parallel_loop3A_333 = tpu.vector_load %arg8[%parallel_loop3A_332] {strides = array<i32>} : memref<16384xf32, #tpu.memory_space<vmem>>, vector<16xf32>,
      %parallel_loop3A_334 = arith.index_cast %parallel_loop3A_331 : i32 to index
      %parallel_loop3A_335 = tpu.vector_load %arg10[%parallel_loop3A_334] {strides = array<i32>} : memref<16384xf32, #tpu.memory_space<vmem>>, vector<16xf32>,
      %parallel_loop3A_336 = arith.constant 17152 : i32
      %parallel_loop3A_337 = vector.broadcast %parallel_loop3A_336 : i32 to vector<16xi32>
      %parallel_loop3A_338 = arith.addi %parallel_loop3A_202, %parallel_loop3A_337 : vector<16xi32>
      %parallel_loop3A_339 = tpu.vector_load_idx %arg9[%parallel_loop3A_338] : memref<32768xf32, #tpu.memory_space<vmem>>[vector<16xi32>], vector<16xf32>,
      %parallel_loop3A_340 = arith.mulf %parallel_loop3A_333, %parallel_loop3A_339 : vector<16xf32>
      %parallel_loop3A_341 = arith.mulf %parallel_loop3A_340, %parallel_loop3A_335 : vector<16xf32>
      %parallel_loop3A_342 = arith.addf %parallel_loop3A_316, %parallel_loop3A_341 : vector<16xf32>
      %parallel_loop3A_343 = arith.constant 9088 : i32
      %parallel_loop3A_344 = arith.addi %parallel_loop3A_343, %parallel_loop3A_247 : i32
      %parallel_loop3A_345 = arith.index_cast %parallel_loop3A_344 : i32 to index
      %parallel_loop3A_346 = tpu.vector_load %arg8[%parallel_loop3A_345] {strides = array<i32>} : memref<16384xf32, #tpu.memory_space<vmem>>, vector<16xf32>,
      %parallel_loop3A_347 = arith.index_cast %parallel_loop3A_344 : i32 to index
      %parallel_loop3A_348 = tpu.vector_load %arg10[%parallel_loop3A_347] {strides = array<i32>} : memref<16384xf32, #tpu.memory_space<vmem>>, vector<16xf32>,
      %parallel_loop3A_349 = arith.constant 17280 : i32
      %parallel_loop3A_350 = vector.broadcast %parallel_loop3A_349 : i32 to vector<16xi32>
      %parallel_loop3A_351 = arith.addi %parallel_loop3A_202, %parallel_loop3A_350 : vector<16xi32>
      %parallel_loop3A_352 = tpu.vector_load_idx %arg9[%parallel_loop3A_351] : memref<32768xf32, #tpu.memory_space<vmem>>[vector<16xi32>], vector<16xf32>,
      %parallel_loop3A_353 = arith.mulf %parallel_loop3A_346, %parallel_loop3A_352 : vector<16xf32>
      %parallel_loop3A_354 = arith.mulf %parallel_loop3A_353, %parallel_loop3A_348 : vector<16xf32>
      %parallel_loop3A_355 = arith.addf %parallel_loop3A_329, %parallel_loop3A_354 : vector<16xf32>
      %parallel_loop3A_356 = arith.addf %parallel_loop3A_342, %parallel_loop3A_355 : vector<16xf32>
      %parallel_loop3A_357 = arith.constant 16 : i32
      %parallel_loop3A_358 = arith.muli %parallel_loop3A_188, %parallel_loop3A_357 : i32
      %parallel_loop3A_359 = arith.index_cast %parallel_loop3A_358 : i32 to index
      %parallel_loop3A_360 = tpu.vector_load %arg11[%parallel_loop3A_359] {strides = array<i32>} : memref<512xf32, #tpu.memory_space<vmem>>, vector<16xf32>,
      %parallel_loop3A_361 = arith.addf %parallel_loop3A_360, %parallel_loop3A_356 : vector<16xf32>
      %parallel_loop3A_362 = arith.index_cast %parallel_loop3A_358 : i32 to index
      %parallel_loop3A_363 = tpu.vector_load %arg11[%parallel_loop3A_362] {strides = array<i32>} : memref<512xf32, #tpu.memory_space<vmem>>, vector<16xf32>,
      tpu.vector_store %arg11[%parallel_loop3A_362], %parallel_loop3A_361 {strides = array<i32>} : memref<512xf32, #tpu.memory_space<vmem>>, vector<16xf32>,
    } {sc.loop_unroll_factor = 2 : i64, sc.parallel_access}
    %dma_wait3A_165 = arith.constant 24576 : i32
    %dma_wait3A_166 = tpu.memref_slice %arg9[%dma_wait3A_165] : memref<32768xf32, #tpu.memory_space<vmem>> -> memref<8192xf32, #tpu.memory_space<vmem>>
    %dma_wait3A_167 = arith.constant 24576 : i32
    %dma_wait3A_168 = tpu.memref_slice %arg5[%dma_wait3A_167] : memref<32768xf32, #tpu.memory_space<hbm>> -> memref<8192xf32, #tpu.memory_space<hbm>>
    %dma_wait3A_169 = arith.constant 24576 : i32
    %dma_wait3A_170 = tpu.memref_slice %arg9[%dma_wait3A_169] : memref<32768xf32, #tpu.memory_space<vmem>> -> memref<8192xf32, #tpu.memory_space<vmem>>
    %dma_wait3A_171 = arith.constant 24576 : i32
    %dma_wait3A_172 = tpu.memref_slice %arg5[%dma_wait3A_171] : memref<32768xf32, #tpu.memory_space<hbm>> -> memref<8192xf32, #tpu.memory_space<hbm>>
    tpu.wait_dma2 semaphore(%arg15 : memref<!tpu.dma_semaphore, #tpu.memory_space<semaphore_mem>>) src(%dma_wait3A_172 : memref<8192xf32, #tpu.memory_space<hbm>>) dst(%dma_wait3A_170 : memref<8192xf32, #tpu.memory_space<vmem>>)
    %dma_wait3A_173 = arith.constant 12288 : i32
    %dma_wait3A_174 = tpu.memref_slice %arg8[%dma_wait3A_173] : memref<16384xf32, #tpu.memory_space<vmem>> -> memref<4096xf32, #tpu.memory_space<vmem>>
    %dma_wait3A_175 = tpu.memref_slice %arg2[%add3A_77] : memref<524288xf32, #tpu.memory_space<hbm>> -> memref<4096xf32, #tpu.memory_space<hbm>>
    %dma_wait3A_176 = arith.constant 12288 : i32
    %dma_wait3A_177 = tpu.memref_slice %arg8[%dma_wait3A_176] : memref<16384xf32, #tpu.memory_space<vmem>> -> memref<4096xf32, #tpu.memory_space<vmem>>
    %dma_wait3A_178 = tpu.memref_slice %arg2[%add3A_77] : memref<524288xf32, #tpu.memory_space<hbm>> -> memref<4096xf32, #tpu.memory_space<hbm>>
    tpu.wait_dma2 semaphore(%arg15 : memref<!tpu.dma_semaphore, #tpu.memory_space<semaphore_mem>>) src(%dma_wait3A_178 : memref<4096xf32, #tpu.memory_space<hbm>>) dst(%dma_wait3A_177 : memref<4096xf32, #tpu.memory_space<vmem>>)
    %dma_wait3A_179 = arith.constant 12288 : i32
    %dma_wait3A_180 = tpu.memref_slice %arg10[%dma_wait3A_179] : memref<16384xf32, #tpu.memory_space<vmem>> -> memref<4096xf32, #tpu.memory_space<vmem>>
    %dma_wait3A_181 = tpu.memref_slice %arg4[%add3A_77] : memref<524288xf32, #tpu.memory_space<hbm>> -> memref<4096xf32, #tpu.memory_space<hbm>>
    %dma_wait3A_182 = arith.constant 12288 : i32
    %dma_wait3A_183 = tpu.memref_slice %arg10[%dma_wait3A_182] : memref<16384xf32, #tpu.memory_space<vmem>> -> memref<4096xf32, #tpu.memory_space<vmem>>
    %dma_wait3A_184 = tpu.memref_slice %arg4[%add3A_77] : memref<524288xf32, #tpu.memory_space<hbm>> -> memref<4096xf32, #tpu.memory_space<hbm>>
    tpu.wait_dma2 semaphore(%arg15 : memref<!tpu.dma_semaphore, #tpu.memory_space<semaphore_mem>>) src(%dma_wait3A_184 : memref<4096xf32, #tpu.memory_space<hbm>>) dst(%dma_wait3A_183 : memref<4096xf32, #tpu.memory_space<vmem>>)
    %parallel_loop3A_185 = arith.constant 0 : i32
    %parallel_loop3A_186 = arith.constant 32 : i32
    %parallel_loop3A_187 = arith.constant 1 : i32
    scf.for %parallel_loop3A_188 = %parallel_loop3A_185 to %parallel_loop3A_186 step %parallel_loop3A_187  : i32 {
      %parallel_loop3A_189 = arith.constant 16 : i32
      %parallel_loop3A_190 = arith.muli %parallel_loop3A_188, %parallel_loop3A_189 : i32
      %parallel_loop3A_191 = arith.index_cast %parallel_loop3A_190 : i32 to index
      %parallel_loop3A_192 = tpu.vector_load %arg7[%parallel_loop3A_191] {strides = array<i32>} : memref<512xi32, #tpu.memory_space<vmem>>, vector<16xi32>,
      %parallel_loop3A_193 = arith.constant 7 : i32
      %parallel_loop3A_194 = vector.broadcast %parallel_loop3A_193 : i32 to vector<16xi32>
      %parallel_loop3A_195 = arith.shrsi %parallel_loop3A_192, %parallel_loop3A_194 : vector<16xi32>
      %parallel_loop3A_196 = arith.constant 10 : i32
      %parallel_loop3A_197 = vector.broadcast %parallel_loop3A_196 : i32 to vector<16xi32>
      %parallel_loop3A_198 = arith.shli %parallel_loop3A_195, %parallel_loop3A_197 : vector<16xi32>
      %parallel_loop3A_199 = arith.constant 127 : i32
      %parallel_loop3A_200 = vector.broadcast %parallel_loop3A_199 : i32 to vector<16xi32>
      %parallel_loop3A_201 = arith.andi %parallel_loop3A_192, %parallel_loop3A_200 : vector<16xi32>
      %parallel_loop3A_202 = arith.addi %parallel_loop3A_198, %parallel_loop3A_201 : vector<16xi32>
      %parallel_loop3A_203 = arith.constant 8 : i32
      %parallel_loop3A_204 = arith.divsi %parallel_loop3A_188, %parallel_loop3A_203 : i32
      %parallel_loop3A_205 = arith.constant 0 : i32
      %parallel_loop3A_206 = arith.cmpi sgt, %parallel_loop3A_188, %parallel_loop3A_205 : i32
      %parallel_loop3A_207 = arith.extui %parallel_loop3A_206 : i1 to i32
      %parallel_loop3A_208 = arith.constant 0 : i32
      %parallel_loop3A_209 = arith.cmpi slt, %parallel_loop3A_188, %parallel_loop3A_208 : i32
      %parallel_loop3A_210 = arith.extui %parallel_loop3A_209 : i1 to i32
      %parallel_loop3A_211 = arith.subi %parallel_loop3A_207, %parallel_loop3A_210 : i32
      %parallel_loop3A_212 = arith.constant 0 : i32
      %parallel_loop3A_213 = arith.cmpi sgt, %parallel_loop3A_203, %parallel_loop3A_212 : i32
      %parallel_loop3A_214 = arith.extui %parallel_loop3A_213 : i1 to i32
      %parallel_loop3A_215 = arith.constant 0 : i32
      %parallel_loop3A_216 = arith.cmpi slt, %parallel_loop3A_203, %parallel_loop3A_215 : i32
      %parallel_loop3A_217 = arith.extui %parallel_loop3A_216 : i1 to i32
      %parallel_loop3A_218 = arith.subi %parallel_loop3A_214, %parallel_loop3A_217 : i32
      %parallel_loop3A_219 = arith.cmpi ne, %parallel_loop3A_211, %parallel_loop3A_218 : i32
      %parallel_loop3A_220 = arith.remsi %parallel_loop3A_188, %parallel_loop3A_203 : i32
      %parallel_loop3A_221 = arith.constant 0 : i32
      %parallel_loop3A_222 = arith.cmpi ne, %parallel_loop3A_220, %parallel_loop3A_221 : i32
      %parallel_loop3A_223 = arith.andi %parallel_loop3A_219, %parallel_loop3A_222 : i1
      %parallel_loop3A_224 = arith.constant 1 : i32
      %parallel_loop3A_225 = arith.subi %parallel_loop3A_204, %parallel_loop3A_224 : i32
      %parallel_loop3A_226 = arith.select %parallel_loop3A_223, %parallel_loop3A_225, %parallel_loop3A_204 : i32
      %parallel_loop3A_227 = arith.constant 1024 : i32
      %parallel_loop3A_228 = arith.muli %parallel_loop3A_226, %parallel_loop3A_227 : i32
      %parallel_loop3A_229 = arith.constant 8 : i32
      %parallel_loop3A_230 = arith.constant 0 : i32
      %parallel_loop3A_231 = arith.cmpi eq, %parallel_loop3A_229, %parallel_loop3A_230 : i32
      %parallel_loop3A_232 = arith.constant 1 : i32
      %parallel_loop3A_233 = arith.select %parallel_loop3A_231, %parallel_loop3A_232, %parallel_loop3A_229 : i32
      %parallel_loop3A_234 = arith.remsi %parallel_loop3A_188, %parallel_loop3A_233 : i32
      %parallel_loop3A_235 = arith.constant 0 : i32
      %parallel_loop3A_236 = arith.cmpi ne, %parallel_loop3A_234, %parallel_loop3A_235 : i32
      %parallel_loop3A_237 = arith.constant 0 : i32
      %parallel_loop3A_238 = arith.cmpi slt, %parallel_loop3A_234, %parallel_loop3A_237 : i32
      %parallel_loop3A_239 = arith.constant 0 : i32
      %parallel_loop3A_240 = arith.cmpi slt, %parallel_loop3A_233, %parallel_loop3A_239 : i32
      %parallel_loop3A_241 = arith.xori %parallel_loop3A_238, %parallel_loop3A_240 : i1
      %parallel_loop3A_242 = arith.andi %parallel_loop3A_241, %parallel_loop3A_236 : i1
      %parallel_loop3A_243 = arith.addi %parallel_loop3A_234, %parallel_loop3A_233 : i32
      %parallel_loop3A_244 = arith.select %parallel_loop3A_242, %parallel_loop3A_243, %parallel_loop3A_234 : i32
      %parallel_loop3A_245 = arith.constant 16 : i32
      %parallel_loop3A_246 = arith.muli %parallel_loop3A_244, %parallel_loop3A_245 : i32
      %parallel_loop3A_247 = arith.addi %parallel_loop3A_228, %parallel_loop3A_246 : i32
      %parallel_loop3A_248 = arith.constant 0.000000e+00 : f32
      %parallel_loop3A_249 = vector.broadcast %parallel_loop3A_248 : f32 to vector<16xf32>
      %parallel_loop3A_250 = arith.constant 0.000000e+00 : f32
      %parallel_loop3A_251 = vector.broadcast %parallel_loop3A_250 : f32 to vector<16xf32>
      %parallel_loop3A_252 = arith.constant 12288 : i32
      %parallel_loop3A_253 = arith.addi %parallel_loop3A_252, %parallel_loop3A_247 : i32
      %parallel_loop3A_254 = arith.index_cast %parallel_loop3A_253 : i32 to index
      %parallel_loop3A_255 = tpu.vector_load %arg8[%parallel_loop3A_254] {strides = array<i32>} : memref<16384xf32, #tpu.memory_space<vmem>>, vector<16xf32>,
      %parallel_loop3A_256 = arith.index_cast %parallel_loop3A_253 : i32 to index
      %parallel_loop3A_257 = tpu.vector_load %arg10[%parallel_loop3A_256] {strides = array<i32>} : memref<16384xf32, #tpu.memory_space<vmem>>, vector<16xf32>,
      %parallel_loop3A_258 = arith.constant 24576 : i32
      %parallel_loop3A_259 = vector.broadcast %parallel_loop3A_258 : i32 to vector<16xi32>
      %parallel_loop3A_260 = arith.addi %parallel_loop3A_202, %parallel_loop3A_259 : vector<16xi32>
      %parallel_loop3A_261 = tpu.vector_load_idx %arg9[%parallel_loop3A_260] : memref<32768xf32, #tpu.memory_space<vmem>>[vector<16xi32>], vector<16xf32>,
      %parallel_loop3A_262 = arith.mulf %parallel_loop3A_255, %parallel_loop3A_261 : vector<16xf32>
      %parallel_loop3A_263 = arith.mulf %parallel_loop3A_262, %parallel_loop3A_257 : vector<16xf32>
      %parallel_loop3A_264 = arith.addf %parallel_loop3A_249, %parallel_loop3A_263 : vector<16xf32>
      %parallel_loop3A_265 = arith.constant 12416 : i32
      %parallel_loop3A_266 = arith.addi %parallel_loop3A_265, %parallel_loop3A_247 : i32
      %parallel_loop3A_267 = arith.index_cast %parallel_loop3A_266 : i32 to index
      %parallel_loop3A_268 = tpu.vector_load %arg8[%parallel_loop3A_267] {strides = array<i32>} : memref<16384xf32, #tpu.memory_space<vmem>>, vector<16xf32>,
      %parallel_loop3A_269 = arith.index_cast %parallel_loop3A_266 : i32 to index
      %parallel_loop3A_270 = tpu.vector_load %arg10[%parallel_loop3A_269] {strides = array<i32>} : memref<16384xf32, #tpu.memory_space<vmem>>, vector<16xf32>,
      %parallel_loop3A_271 = arith.constant 24704 : i32
      %parallel_loop3A_272 = vector.broadcast %parallel_loop3A_271 : i32 to vector<16xi32>
      %parallel_loop3A_273 = arith.addi %parallel_loop3A_202, %parallel_loop3A_272 : vector<16xi32>
      %parallel_loop3A_274 = tpu.vector_load_idx %arg9[%parallel_loop3A_273] : memref<32768xf32, #tpu.memory_space<vmem>>[vector<16xi32>], vector<16xf32>,
      %parallel_loop3A_275 = arith.mulf %parallel_loop3A_268, %parallel_loop3A_274 : vector<16xf32>
      %parallel_loop3A_276 = arith.mulf %parallel_loop3A_275, %parallel_loop3A_270 : vector<16xf32>
      %parallel_loop3A_277 = arith.addf %parallel_loop3A_251, %parallel_loop3A_276 : vector<16xf32>
      %parallel_loop3A_278 = arith.constant 12544 : i32
      %parallel_loop3A_279 = arith.addi %parallel_loop3A_278, %parallel_loop3A_247 : i32
      %parallel_loop3A_280 = arith.index_cast %parallel_loop3A_279 : i32 to index
      %parallel_loop3A_281 = tpu.vector_load %arg8[%parallel_loop3A_280] {strides = array<i32>} : memref<16384xf32, #tpu.memory_space<vmem>>, vector<16xf32>,
      %parallel_loop3A_282 = arith.index_cast %parallel_loop3A_279 : i32 to index
      %parallel_loop3A_283 = tpu.vector_load %arg10[%parallel_loop3A_282] {strides = array<i32>} : memref<16384xf32, #tpu.memory_space<vmem>>, vector<16xf32>,
      %parallel_loop3A_284 = arith.constant 24832 : i32
      %parallel_loop3A_285 = vector.broadcast %parallel_loop3A_284 : i32 to vector<16xi32>
      %parallel_loop3A_286 = arith.addi %parallel_loop3A_202, %parallel_loop3A_285 : vector<16xi32>
      %parallel_loop3A_287 = tpu.vector_load_idx %arg9[%parallel_loop3A_286] : memref<32768xf32, #tpu.memory_space<vmem>>[vector<16xi32>], vector<16xf32>,
      %parallel_loop3A_288 = arith.mulf %parallel_loop3A_281, %parallel_loop3A_287 : vector<16xf32>
      %parallel_loop3A_289 = arith.mulf %parallel_loop3A_288, %parallel_loop3A_283 : vector<16xf32>
      %parallel_loop3A_290 = arith.addf %parallel_loop3A_264, %parallel_loop3A_289 : vector<16xf32>
      %parallel_loop3A_291 = arith.constant 12672 : i32
      %parallel_loop3A_292 = arith.addi %parallel_loop3A_291, %parallel_loop3A_247 : i32
      %parallel_loop3A_293 = arith.index_cast %parallel_loop3A_292 : i32 to index
      %parallel_loop3A_294 = tpu.vector_load %arg8[%parallel_loop3A_293] {strides = array<i32>} : memref<16384xf32, #tpu.memory_space<vmem>>, vector<16xf32>,
      %parallel_loop3A_295 = arith.index_cast %parallel_loop3A_292 : i32 to index
      %parallel_loop3A_296 = tpu.vector_load %arg10[%parallel_loop3A_295] {strides = array<i32>} : memref<16384xf32, #tpu.memory_space<vmem>>, vector<16xf32>,
      %parallel_loop3A_297 = arith.constant 24960 : i32
      %parallel_loop3A_298 = vector.broadcast %parallel_loop3A_297 : i32 to vector<16xi32>
      %parallel_loop3A_299 = arith.addi %parallel_loop3A_202, %parallel_loop3A_298 : vector<16xi32>
      %parallel_loop3A_300 = tpu.vector_load_idx %arg9[%parallel_loop3A_299] : memref<32768xf32, #tpu.memory_space<vmem>>[vector<16xi32>], vector<16xf32>,
      %parallel_loop3A_301 = arith.mulf %parallel_loop3A_294, %parallel_loop3A_300 : vector<16xf32>
      %parallel_loop3A_302 = arith.mulf %parallel_loop3A_301, %parallel_loop3A_296 : vector<16xf32>
      %parallel_loop3A_303 = arith.addf %parallel_loop3A_277, %parallel_loop3A_302 : vector<16xf32>
      %parallel_loop3A_304 = arith.constant 12800 : i32
      %parallel_loop3A_305 = arith.addi %parallel_loop3A_304, %parallel_loop3A_247 : i32
      %parallel_loop3A_306 = arith.index_cast %parallel_loop3A_305 : i32 to index
      %parallel_loop3A_307 = tpu.vector_load %arg8[%parallel_loop3A_306] {strides = array<i32>} : memref<16384xf32, #tpu.memory_space<vmem>>, vector<16xf32>,
      %parallel_loop3A_308 = arith.index_cast %parallel_loop3A_305 : i32 to index
      %parallel_loop3A_309 = tpu.vector_load %arg10[%parallel_loop3A_308] {strides = array<i32>} : memref<16384xf32, #tpu.memory_space<vmem>>, vector<16xf32>,
      %parallel_loop3A_310 = arith.constant 25088 : i32
      %parallel_loop3A_311 = vector.broadcast %parallel_loop3A_310 : i32 to vector<16xi32>
      %parallel_loop3A_312 = arith.addi %parallel_loop3A_202, %parallel_loop3A_311 : vector<16xi32>
      %parallel_loop3A_313 = tpu.vector_load_idx %arg9[%parallel_loop3A_312] : memref<32768xf32, #tpu.memory_space<vmem>>[vector<16xi32>], vector<16xf32>,
      %parallel_loop3A_314 = arith.mulf %parallel_loop3A_307, %parallel_loop3A_313 : vector<16xf32>
      %parallel_loop3A_315 = arith.mulf %parallel_loop3A_314, %parallel_loop3A_309 : vector<16xf32>
      %parallel_loop3A_316 = arith.addf %parallel_loop3A_290, %parallel_loop3A_315 : vector<16xf32>
      %parallel_loop3A_317 = arith.constant 12928 : i32
      %parallel_loop3A_318 = arith.addi %parallel_loop3A_317, %parallel_loop3A_247 : i32
      %parallel_loop3A_319 = arith.index_cast %parallel_loop3A_318 : i32 to index
      %parallel_loop3A_320 = tpu.vector_load %arg8[%parallel_loop3A_319] {strides = array<i32>} : memref<16384xf32, #tpu.memory_space<vmem>>, vector<16xf32>,
      %parallel_loop3A_321 = arith.index_cast %parallel_loop3A_318 : i32 to index
      %parallel_loop3A_322 = tpu.vector_load %arg10[%parallel_loop3A_321] {strides = array<i32>} : memref<16384xf32, #tpu.memory_space<vmem>>, vector<16xf32>,
      %parallel_loop3A_323 = arith.constant 25216 : i32
      %parallel_loop3A_324 = vector.broadcast %parallel_loop3A_323 : i32 to vector<16xi32>
      %parallel_loop3A_325 = arith.addi %parallel_loop3A_202, %parallel_loop3A_324 : vector<16xi32>
      %parallel_loop3A_326 = tpu.vector_load_idx %arg9[%parallel_loop3A_325] : memref<32768xf32, #tpu.memory_space<vmem>>[vector<16xi32>], vector<16xf32>,
      %parallel_loop3A_327 = arith.mulf %parallel_loop3A_320, %parallel_loop3A_326 : vector<16xf32>
      %parallel_loop3A_328 = arith.mulf %parallel_loop3A_327, %parallel_loop3A_322 : vector<16xf32>
      %parallel_loop3A_329 = arith.addf %parallel_loop3A_303, %parallel_loop3A_328 : vector<16xf32>
      %parallel_loop3A_330 = arith.constant 13056 : i32
      %parallel_loop3A_331 = arith.addi %parallel_loop3A_330, %parallel_loop3A_247 : i32
      %parallel_loop3A_332 = arith.index_cast %parallel_loop3A_331 : i32 to index
      %parallel_loop3A_333 = tpu.vector_load %arg8[%parallel_loop3A_332] {strides = array<i32>} : memref<16384xf32, #tpu.memory_space<vmem>>, vector<16xf32>,
      %parallel_loop3A_334 = arith.index_cast %parallel_loop3A_331 : i32 to index
      %parallel_loop3A_335 = tpu.vector_load %arg10[%parallel_loop3A_334] {strides = array<i32>} : memref<16384xf32, #tpu.memory_space<vmem>>, vector<16xf32>,
      %parallel_loop3A_336 = arith.constant 25344 : i32
      %parallel_loop3A_337 = vector.broadcast %parallel_loop3A_336 : i32 to vector<16xi32>
      %parallel_loop3A_338 = arith.addi %parallel_loop3A_202, %parallel_loop3A_337 : vector<16xi32>
      %parallel_loop3A_339 = tpu.vector_load_idx %arg9[%parallel_loop3A_338] : memref<32768xf32, #tpu.memory_space<vmem>>[vector<16xi32>], vector<16xf32>,
      %parallel_loop3A_340 = arith.mulf %parallel_loop3A_333, %parallel_loop3A_339 : vector<16xf32>
      %parallel_loop3A_341 = arith.mulf %parallel_loop3A_340, %parallel_loop3A_335 : vector<16xf32>
      %parallel_loop3A_342 = arith.addf %parallel_loop3A_316, %parallel_loop3A_341 : vector<16xf32>
      %parallel_loop3A_343 = arith.constant 13184 : i32
      %parallel_loop3A_344 = arith.addi %parallel_loop3A_343, %parallel_loop3A_247 : i32
      %parallel_loop3A_345 = arith.index_cast %parallel_loop3A_344 : i32 to index
      %parallel_loop3A_346 = tpu.vector_load %arg8[%parallel_loop3A_345] {strides = array<i32>} : memref<16384xf32, #tpu.memory_space<vmem>>, vector<16xf32>,
      %parallel_loop3A_347 = arith.index_cast %parallel_loop3A_344 : i32 to index
      %parallel_loop3A_348 = tpu.vector_load %arg10[%parallel_loop3A_347] {strides = array<i32>} : memref<16384xf32, #tpu.memory_space<vmem>>, vector<16xf32>,
      %parallel_loop3A_349 = arith.constant 25472 : i32
      %parallel_loop3A_350 = vector.broadcast %parallel_loop3A_349 : i32 to vector<16xi32>
      %parallel_loop3A_351 = arith.addi %parallel_loop3A_202, %parallel_loop3A_350 : vector<16xi32>
      %parallel_loop3A_352 = tpu.vector_load_idx %arg9[%parallel_loop3A_351] : memref<32768xf32, #tpu.memory_space<vmem>>[vector<16xi32>], vector<16xf32>,
      %parallel_loop3A_353 = arith.mulf %parallel_loop3A_346, %parallel_loop3A_352 : vector<16xf32>
      %parallel_loop3A_354 = arith.mulf %parallel_loop3A_353, %parallel_loop3A_348 : vector<16xf32>
      %parallel_loop3A_355 = arith.addf %parallel_loop3A_329, %parallel_loop3A_354 : vector<16xf32>
      %parallel_loop3A_356 = arith.addf %parallel_loop3A_342, %parallel_loop3A_355 : vector<16xf32>
      %parallel_loop3A_357 = arith.constant 16 : i32
      %parallel_loop3A_358 = arith.muli %parallel_loop3A_188, %parallel_loop3A_357 : i32
      %parallel_loop3A_359 = arith.index_cast %parallel_loop3A_358 : i32 to index
      %parallel_loop3A_360 = tpu.vector_load %arg11[%parallel_loop3A_359] {strides = array<i32>} : memref<512xf32, #tpu.memory_space<vmem>>, vector<16xf32>,
      %parallel_loop3A_361 = arith.addf %parallel_loop3A_360, %parallel_loop3A_356 : vector<16xf32>
      %parallel_loop3A_362 = arith.index_cast %parallel_loop3A_358 : i32 to index
      %parallel_loop3A_363 = tpu.vector_load %arg11[%parallel_loop3A_362] {strides = array<i32>} : memref<512xf32, #tpu.memory_space<vmem>>, vector<16xf32>,
      tpu.vector_store %arg11[%parallel_loop3A_362], %parallel_loop3A_361 {strides = array<i32>} : memref<512xf32, #tpu.memory_space<vmem>>, vector<16xf32>,
    } {sc.loop_unroll_factor = 2 : i64, sc.parallel_access}
    "tpu.region"() ({
      %run_scoped3A = tpu.sem_alloc : memref<!tpu.dma_semaphore, #tpu.memory_space<semaphore_mem>>
      %dma_start3A_188 = tpu.memref_slice %arg6[%mul3A_2] : memref<16384xf32, #tpu.memory_space<hbm>> -> memref<512xf32, #tpu.memory_space<hbm>>
      %dma_start3A_189 = tpu.memref_slice %arg6[%mul3A_2] : memref<16384xf32, #tpu.memory_space<hbm>> -> memref<512xf32, #tpu.memory_space<hbm>>
      tpu.enqueue_dma source(%arg11 : memref<512xf32, #tpu.memory_space<vmem>>) target(%dma_start3A_189 : memref<512xf32, #tpu.memory_space<hbm>>) target_semaphore(%run_scoped3A : memref<!tpu.dma_semaphore, #tpu.memory_space<semaphore_mem>>)
      %dma_wait3A_190 = tpu.memref_slice %arg6[%mul3A_2] : memref<16384xf32, #tpu.memory_space<hbm>> -> memref<512xf32, #tpu.memory_space<hbm>>
      %dma_wait3A_191 = tpu.memref_slice %arg6[%mul3A_2] : memref<16384xf32, #tpu.memory_space<hbm>> -> memref<512xf32, #tpu.memory_space<hbm>>
      tpu.wait_dma2 semaphore(%run_scoped3A : memref<!tpu.dma_semaphore, #tpu.memory_space<semaphore_mem>>) src(%arg11 : memref<512xf32, #tpu.memory_space<vmem>>) dst(%dma_wait3A_191 : memref<512xf32, #tpu.memory_space<hbm>>)
      tpu.yield
    }) : () -> ()
    return
  }
}

</mosaic_0001>

<sc_bundles>
// kernel: kernel.3.cloned.1.call-start
scs
__scs_entry_jumppad:
0x0: {  	(pc) =	sbr.rel $0x88, $3  }
0x1: {  	(tag) =	ssettag $0x0;
	lr =	simm.s32 $0x1  }
0x2: {  	[smem:$0x3F9D] =	sst lr;
	_ =	strace $0xD0000000  }
0x3: {  	_ = 	snop  }
0x4: {  	_ = 	snop  }
0x5: {  	_ = 	snop  }
0x6: {  	_ = 	snop  }
0x7: {  	_ = 	snop  }
__scs_overlays_trampoline_lowered:
0x8: {  	[smem:$0x3FAC] =	sst s0  }
0x9: {  	[smem:$0x3FAD] =	sst s1  }
0xa: {  	[smem:$0x3FAE] =	sst s2  }
0xb: {  	[smem:$0x3FAF] =	sst s3  }
0xc: {  	[smem:$0x3FB0] =	sst s4  }
0xd: {  	[smem:$0x3FB1] =	sst s5  }
0xe: {  	[smem:$0x3FB2] =	sst s6  }
0xf: {  	[smem:$0x3FB3] =	sst s7  }
0x10: {  	[smem:$0x3FB4] =	sst s8  }
0x11: {  	[smem:$0x3FB5] =	sst s9;
	s0 =	simm.s32 @!p0 $0x0  }
0x12: {  	s1 =	sld [smem:$0x3F9B];
	s0 =	simm.s32 @p0 $0x1  }
0x13: {  	[smem:$0x3FB6] =	sst s0;
	s0 =	simm.s32 @!p1 $0x0  }
0x14: {  	s2 =	sld [smem:$0x3F9A];
	s0 =	simm.s32 @p1 $0x1  }
0x15: {  	[smem:$0x3FB7] =	sst s0;
	s0 =	simm.s32 @!p2 $0x0  }
0x16: {  	s3 =	sld [smem:$0x3FDB];
	s0 =	simm.s32 @p2 $0x1  }
0x17: {  	s4 =	simm.s32 $0x1BF5;
	[smem:$0x3FB9] =	sst s0  }
0x18: {  	s0 =	sld [smem:$0x3F9C];
	_ =	swait.ge [sflag:s4], $0x0  }
0x19: {  	s7 =	sld [smem:$0x3F9D]  }
0x1a: {  	s8 =	sadd.s32 $0xFFFFE003, lr  }
0x1b: {  	s9 =	sadd.s32 $0xFFFFFEF7, lr;
	s5 =	simm.s32 $0xFFFFFFFF;
	p2 =	slt.u32 s8, $0xFFFFF086  }
0x1c: {  	p1 =	slt.u32 s9, $0xF7A;
	s5 =	simm.s32 @!p2 $0x0  }
0x1d: {  	s5 =	simm.s32 @p1 $0x1;
	p0 =	seq.s32 s7, s2  }
0x1e: {  	s7 =	smul.u32 @!p0 $0xF7A, s2;
	p2 =	seq.s32 @!p0 s5, $0x0  }
0x1f: {  	s9 =	smul.u32 $0xF7A, s1;
	s8 =	simm.s32 @!p0 $0x1BF5;
	p2 =	por !p2, p0  }
0x20: {  	[sflag:s8] =	ssyncset.s32 @!p0 $0xFFFFF086;
	s6 =	sadd.s32 @!p0 s3, s7;
	s7 =	simm.s32 @!p0 $0x108  }
0x21: {  	s3 =	sadd.s32 s3, s9;
	s6 =	sadd.s32 @!p0 $0x88, s6;
	s7 =	simm.s32 @p2 $0x1082  }
0x22: {  	[simem:s7], [sflag:s8] =	dma.local @!p0 [hbm:s6], $0xF7A  }
0x23: {  	s9 =	sor.u32 $0xD0000000, s2;
	s6 =	simm.s32 $0x108;
	_ =	swait.ge @!p0 [sflag:s8], $0x0  }
0x24: {  	s3 =	sadd.s32 $0x88, s3;
	s6 =	simm.s32 @!p1 $0x1082;
	[sflag:s4] =	ssyncset.s32 $0xFFFFF086  }
0x25: {  	[simem:s6], [sflag:s4] =	dma.local [hbm:s3], $0xF7A  }
0x26: {  	[smem:$0x3F9D] =	sst s1;
	(tag) =	ssettag s2;
	_ =	strace s9  }
0x27: {  	s1 =	sld [smem:$0x3FAD]  }
0x28: {  	s2 =	sld [smem:$0x3FAE]  }
0x29: {  	s4 =	sld [smem:$0x3FB0]  }
0x2a: {  	p0 =	seq.s32 s5, $0x0;
	s5 =	sld [smem:$0x3FB1]  }
0x2b: {  	s6 =	sld [smem:$0x3FB2]  }
0x2c: {  	s7 =	sld [smem:$0x3FB3]  }
0x2d: {  	s3 =	simm.s32 $0x108;
	s8 =	sld [smem:$0x3FB4]  }
0x2e: {  	s3 =	simm.s32 @!p0 $0x1082;
	s9 =	sld [smem:$0x3FB5]  }
0x2f: {  	lr =	sadd.s32 s0, s3;
	s0 =	sld [smem:$0x3FAC]  }
0x30: {  	s3 =	sld [smem:$0x3FAF]  }
0x31: {  	[smem:$0x3FB8] =	sst s10  }
0x32: {  	s10 =	sld [smem:$0x3FB6];
	_ =	sdelay $0x3  }
0x33: {  	p0 =	seq.s32 s10, $0x1;
	s10 =	sld [smem:$0x3FB8];
	_ =	sdelay $0x3  }
0x34: {  	[smem:$0x3FB8] =	sst s10  }
0x35: {  	s10 =	sld [smem:$0x3FB7];
	_ =	sdelay $0x3  }
0x36: {  	p1 =	seq.s32 s10, $0x1;
	s10 =	sld [smem:$0x3FB8];
	_ =	sdelay $0x3  }
0x37: {  	[smem:$0x3FB8] =	sst s10  }
0x38: {  	s10 =	sld [smem:$0x3FB9]  }
0x39: {  	_ = 	snop;
	(pc) =	sbr.ind lr, $3  }
0x3a: {  	_ = 	snop  }
0x3b: {  	_ = 	snop  }
0x3c: {  	p2 =	seq.s32 s10, $0x1;
	s10 =	sld [smem:$0x3FB8]  }
0x3d: {  	_ =	shalt  }
0x3e: {  	_ =	shalt  }
0x3f: {  	_ =	shalt  }
0x40: {  	_ =	shalt  }
0x41: {  	_ =	shalt  }
0x42: {  	_ =	shalt  }
0x43: {  	_ =	shalt  }
0x44: {  	_ =	shalt  }
0x45: {  	_ =	shalt  }
0x46: {  	_ =	shalt  }
0x47: {  	_ =	shalt  }
0x48: {  	_ =	shalt  }
0x49: {  	_ =	shalt  }
0x4a: {  	_ =	shalt  }
0x4b: {  	_ =	shalt  }
0x4c: {  	_ =	shalt  }
0x4d: {  	_ =	shalt  }
0x4e: {  	_ =	shalt  }
0x4f: {  	_ =	shalt  }
0x50: {  	_ =	shalt  }
0x51: {  	_ =	shalt  }
0x52: {  	_ =	shalt  }
0x53: {  	_ =	shalt  }
0x54: {  	_ =	shalt  }
0x55: {  	_ =	shalt  }
0x56: {  	_ =	shalt  }
0x57: {  	_ =	shalt  }
0x58: {  	_ =	shalt  }
0x59: {  	_ =	shalt  }
0x5a: {  	_ =	shalt  }
0x5b: {  	_ =	shalt  }
0x5c: {  	_ =	shalt  }
0x5d: {  	_ =	shalt  }
0x5e: {  	_ =	shalt  }
0x5f: {  	_ =	shalt  }
0x60: {  	_ =	shalt  }
0x61: {  	_ =	shalt  }
0x62: {  	_ =	shalt  }
0x63: {  	_ =	shalt  }
0x64: {  	_ =	shalt  }
0x65: {  	_ =	shalt  }
0x66: {  	_ =	shalt  }
0x67: {  	_ =	shalt  }
0x68: {  	_ =	shalt  }
0x69: {  	_ =	shalt  }
0x6a: {  	_ =	shalt  }
0x6b: {  	_ =	shalt  }
0x6c: {  	_ =	shalt  }
0x6d: {  	_ =	shalt  }
0x6e: {  	_ =	shalt  }
0x6f: {  	_ =	shalt  }
0x70: {  	_ =	shalt  }
0x71: {  	_ =	shalt  }
0x72: {  	_ =	shalt  }
0x73: {  	_ =	shalt  }
0x74: {  	_ =	shalt  }
0x75: {  	_ =	shalt  }
0x76: {  	_ =	shalt  }
0x77: {  	_ =	shalt  }
0x78: {  	_ =	shalt  }
0x79: {  	_ =	shalt  }
0x7a: {  	_ =	shalt  }
0x7b: {  	_ =	shalt  }
0x7c: {  	_ =	shalt  }
0x7d: {  	_ =	shalt  }
0x7e: {  	_ =	shalt  }
0x7f: {  	_ =	shalt  }
0x80: {  	_ =	shalt  }
0x81: {  	_ =	shalt  }
0x82: {  	_ =	shalt  }
0x83: {  	_ =	shalt  }
0x84: {  	_ =	shalt  }
0x85: {  	_ =	shalt  }
0x86: {  	_ =	shalt  }
0x87: {  	_ =	shalt  }
.Lfunc_end0:
.L_simem_size_0:
called_computation_lowered:
.L_overlay_start_0:
0x88: {  	s2 =	sld [smem:$0x3FD9]  }
0x89: {  	s3 =	sld [smem:$0x3FFE];
	_ =	sdelay $0x1  }
0x8a: {  	s1 =	srdreg.scid  }
0x8b: {  	s0 =	sand.u32 $0x1, s1  }
0x8c: {  	s17 =	sshll.u32 s0, $0xA;
	s2 =	sadd.s32 s3, s2  }
0x8d: {  	s2 =	sadd.s32 s2, s17  }
0x8e: {  	[smem:$0x3FC4] =	sst s2  }
0x8f: {  	_ = 	snop  }
0x90: {  	s2 =	sld [smem:$0x3FC9]  }
0x91: {  	s18 =	sld [smem:$0x3FC8]  }
0x92: {  	s4 =	sld [smem:$0x3FC7]  }
0x93: {  	s5 =	sld [smem:$0x3FD0];
	(tm) =	ssettm $0x1  }
0x94: {  	s6 =	sld [smem:$0x3FFB];
	_ =	sdelay $0x3  }
0x95: {  	_ =	strace s6  }
0x96: {  	s6 =	sld [smem:$0x3FFC];
	_ =	sdelay $0x3  }
0x97: {  	_ =	strace s6  }
0x98: {  	s6 =	sld [smem:$0x3FFD];
	_ =	sdelay $0x3  }
0x99: {  	_ =	strace s6  }
0x9a: {  	_ =	strace $0x8FFFFFFF  }
0x9b: {  	s19 =	sld [smem:$0x3FDB];
	_ =	sdelay $0x1  }
0x9c: {  	s7 =	simm.s32 $_scs_section_size  }
0x9d: {  	s8 =	simm.s32 $_size__tile_overlayer_lowered;
	s9 =	simm.s32 $_tile_overlayer_lowered  }
0x9e: {  	s22 =	simm.s32 $0x1BFF;
	s21 =	sshll.u32 s9, $0x1;
	s6 =	sadd.s32 s7, s19  }
0x9f: {  	s10 =	simm.s32 $0x0;
	s20 =	sshll.u32 s8, $0x1;
	s8 =	sadd.s32 s21, s6  }
0xa0: {  	[timem:s10], [sflag:s22] =	dma.local [hbm:s8], s20  }
0xa1: {  	_ =	swait.ge [sflag:s22], s20  }
0xa2: {  	s7 =	ssub.s32 $0x0, s20;
	[sflag:s22] =	ssyncset.done $0x0  }
0xa3: {  	[sflag:s22] =	ssyncadd.s32 s7;
	_ =	sdelay $0x1  }
0xa4: {  	s23 =	simm.s32 $0x1B8B  }
0xa5: {  	_ =	swait.ge [sflag:s23], $0x1  }
0xa6: {  	[sflag:s23] =	ssyncset.done $0x0  }
0xa7: {  	s25 =	simm.s32 $0x1B8E;
	s24 =	sld [smem:$0x3FFE];
	[sflag:s23] =	ssyncadd.s32 $0xFFFFFFFF  }
0xa8: {  	s26 =	simm.s32 $execute0_lowered;
	[smem:$0x3FD2] =	sst s25  }
0xa9: {  	s8 =	sshll.u32 s26, $0x1;
	_ =	strace $0x80000046;
	[dreg:$0x1] =	wrdreg $0xFFFFFFFF  }
0xaa: {  	s28 =	simm.s32 $_size_execute0_lowered;
	s6 =	sadd.s32 s6, s8;
	[dreg:$0x0] =	wrdreg $0x0  }
0xab: {  	s8 =	sshll.u32 s28, $0x1;
	[dreg:$0x2] =	wrdreg s6  }
0xac: {  	[dreg:$0x3] =	wrdreg s8  }
0xad: {  	[dreg:$0x4] =	wrdreg $0xC0  }
0xae: {  	_ =	task [dreg:s10], $0x5FFFF  }
0xaf: {  	[dreg:$0x1] =	wrdreg $0xFFFFFFFF  }
0xb0: {  	[dreg:$0x0] =	wrdreg $0x60  }
0xb1: {  	[dreg:$0x2] =	wrdreg s2  }
0xb2: {  	[dreg:$0x3] =	wrdreg s18  }
0xb3: {  	[dreg:$0x4] =	wrdreg s4  }
0xb4: {  	[dreg:$0x5] =	wrdreg s24  }
0xb5: {  	[dreg:$0x6] =	wrdreg s5  }
0xb6: {  	[dreg:$0x7] =	wrdreg $0x9  }
0xb7: {  	_ =	task.clear_ibuf [dreg:s10], $0x8FFFF;
	_ =	strace $0x90000046  }
0xb8: {  	s29 =	simm.s32 $0x9;
	_ =	strace $0x80000048  }
0xb9: {  	_ =	swait.ge [sflag:s29], $0x1  }
0xba: {  	[sflag:s29] =	ssyncadd.s32 $0xFFFFFFFF  }
0xbb: {  	_ =	strace $0x90000048  }
0xbc: {  	_ =	sfence  }
0xbd: {  	s30 =	sld [smem:$0x0];
	_ =	sdelay $0x2  }
0xbe: {  	s31 =	sshll.u32 s1, $0xD;
	s1 =	sshrl.u32 s1, $0x2  }
0xbf: {  	s3 =	sand.u32 $0x4000, s31;
	s1 =	sadd.s32 s1, s30  }
0xc0: {  	s0 =	sor.u32 s3, s0;
	s1 =	sshll.u32 s1, $0x11  }
0xc1: {  	s0 =	sor.u32 s1, s0  }
0xc2: {  	s0 =	sadd.s32 $0x8F2B, s0  }
0xc3: {  	[sflag:s0] =	ssyncadd.remote.s32 $0x1  }
0xc4: {  	_ =	sfence.sel $0xFFFF  }
0xc5: {  	[dreg:$0x0] =	wrdreg $0xFFFFFFFF;
	(pc) =	sbr.abs _section_cstart, $3  }
0xc6: {  	[dreg:$0x1] =	wrdreg $0xFFFFFFFF  }
0xc7: {  	_ =	task.clear_ibuf [dreg:s10], $0x2FFFF;
	_ =	strace $0x9FFFFFFF  }
0xc8: {  	(tm) =	ssettm $0x7FFFFFFF  }
0xc9: {  	_ =	shalt  }
tec
execute0_lowered:
.L_overlay_start_1:
0x0: {  	(tag) =	ssettag $0x1  }
0x1: {  	s0 =	rddreg [dreg:$0x0]  }
0x2: {  	s1 =	rddreg [dreg:$0x1]  }
0x3: {  	s14 =	rddreg [dreg:$0x2]  }
0x4: {  	s12 =	rddreg [dreg:$0x3]  }
0x5: {  	s16 =	rddreg [dreg:$0x4]  }
0x6: {  	s3 =	srdreg.scid;
	s4 =	stileid.u32;
	s2 =	simm.s32 $0x0  }
0x7: {  	s31 =	simm.s32 $0x5;
	s19 =	simm.s32 $0x3;
	s20 =	simm.s32 $0x4  }
0x8: {  	s22 =	simm.s32 $0x0;
	s3 =	sand.u32 $0x1, s3;
	s4 =	sshll.u32 s4, $0x1  }
0x9: {  	[smem:$0x7FF] =	sst s2;
	s30 =	sadd.s32 $0x400, s12;
	s6 =	sadd.s32 $0x800, s12  }
0xa: {  	s9 =	sadd.s32 $0xC00, s12;
	s12 =	sadd.s32 $0x1000, s12;
	s5 =	ssub.s32 $0x2, s3  }
0xb: {  	s13 =	sor.u32 s3, s4;
	_ =	strace $0x80000047;
	[dreg:$0x6] =	wrdreg s30  }
0xc: {  	s29 =	sshrl.u32 s5, $0x1;
	s15 =	sshll.u32 s13, $0x9;
	s18 =	sshll.u32 s13, $0x6  }
0xd: {  	s17 =	ssub.s32 s5, s29;
	s4 =	sadd.s32 s0, s15;
	s5 =	sadd.s32 s14, s15  }
0xe: {  	s8 =	sor.u32 $0x4000, s15;
	s11 =	sor.u32 $0x8000, s15;
	s15 =	sor.u32 $0xC000, s15  }
0xf: {  	s16 =	sadd.s32 s16, s18;
	s7 =	sadd.s32 s0, s8;
	s8 =	sadd.s32 s14, s8  }
0x10: {  	s10 =	sadd.s32 s0, s11;
	s11 =	sadd.s32 s14, s11;
	s13 =	sadd.s32 s0, s15  }
0x11: {  	s14 =	sadd.s32 s14, s15;
	s15 =	sadd.s32 s1, s18;
	s17 =	smax.u32 s17, $0x1  }
0x12: {  	s18 =	simm.s32 $0x4200;
	s0 =	simm.s32 $0x1;
	s1 =	simm.s32 $0x2  }
.LBB2_1:
0x13: {  	s3 =	rddreg [dreg:$0x6]  }
0x14: {  	[tilespmem:s18], [sflag:$0x1] =	stream.linear.gather [hbm4b:s3+s2], $0x2000, $0x38;
	[tilespmem:$0x10400] =	vst v63  }
0x15: {  	s21 =	simm.s32 $0x200  }
0x16: {  	[tilespmem:s21], [sflag:$0x1] =	stream.linear.gather [hbm4b:s4+s2], $0x1000, $0x38;
	[tilespmem:$0x10400] =	vst v63  }
0x17: {  	s23 =	simm.s32 $0xC200  }
0x18: {  	[tilespmem:s23], [sflag:$0x1] =	stream.linear.gather [hbm4b:s5+s2], $0x1000, $0x38;
	[tilespmem:$0x10400] =	vst v63  }
0x19: {  	s24 =	simm.s32 $0x6200  }
0x1a: {  	[tilespmem:s24], [sflag:$0x2] =	stream.linear.gather [hbm4b:s6+s2], $0x2000, $0x38;
	[tilespmem:$0x10400] =	vst v63  }
0x1b: {  	s25 =	simm.s32 $0x1200  }
0x1c: {  	[tilespmem:s25], [sflag:$0x2] =	stream.linear.gather [hbm4b:s7+s2], $0x1000, $0x38;
	[tilespmem:$0x10400] =	vst v63  }
0x1d: {  	s26 =	simm.s32 $0xD200  }
0x1e: {  	[tilespmem:s26], [sflag:$0x2] =	stream.linear.gather [hbm4b:s8+s2], $0x1000, $0x38;
	[tilespmem:$0x10400] =	vst v63  }
0x1f: {  	s29 =	simm.s32 $0x8200  }
0x20: {  	[tilespmem:s29], [sflag:$0x3] =	stream.linear.gather [hbm4b:s9+s2], $0x2000, $0x38;
	[tilespmem:$0x10400] =	vst v63  }
0x21: {  	s30 =	simm.s32 $0x2200  }
0x22: {  	[tilespmem:s30], [sflag:$0x3] =	stream.linear.gather [hbm4b:s10+s2], $0x1000, $0x38;
	[tilespmem:$0x10400] =	vst v63  }
0x23: {  	s21 =	simm.s32 $0xE200  }
0x24: {  	[tilespmem:s21], [sflag:$0x3] =	stream.linear.gather [hbm4b:s11+s2], $0x1000, $0x38;
	[tilespmem:$0x10400] =	vst v63  }
0x25: {  	s23 =	simm.s32 $0xA200  }
0x26: {  	[tilespmem:s23], [sflag:$0x4] =	stream.linear.gather [hbm4b:s12+s2], $0x2000, $0x38;
	[tilespmem:$0x10400] =	vst v63  }
0x27: {  	s24 =	simm.s32 $0x3200  }
0x28: {  	[tilespmem:s24], [sflag:$0x4] =	stream.linear.gather [hbm4b:s13+s2], $0x1000, $0x38;
	[tilespmem:$0x10400] =	vst v63  }
0x29: {  	s25 =	simm.s32 $0xF200  }
0x2a: {  	[tilespmem:s25], [sflag:$0x4] =	stream.linear.gather [hbm4b:s14+s2], $0x1000, $0x38;
	[tilespmem:$0x10400] =	vst v63  }
0x2b: {  	_ = 	snop  }
0x2c: {  	[tilespmem:s2], [sflag:$0x5] =	stream.linear.gather [hbm4b:s15+s2], $0x200, $0x38;
	[tilespmem:$0x10400] =	vst v63  }
0x2d: {  	_ =	swait.ge [sflag:s31], $0x200  }
0x2e: {  	[sflag:s31] =	ssyncset.done $0x0  }
0x2f: {  	[sflag:s31] =	ssyncadd.s32 $0xFFFFFE00  }
0x30: {  	_ =	swait.ge [sflag:s0], $0x2000  }
0x31: {  	[sflag:s0] =	ssyncset.done $0x0  }
0x32: {  	[sflag:s0] =	ssyncadd.s32 $0xFFFFE000  }
0x33: {  	_ =	swait.ge [sflag:s0], $0x1000  }
0x34: {  	[sflag:s0] =	ssyncset.done $0x0  }
0x35: {  	[sflag:s0] =	ssyncadd.s32 $0xFFFFF000  }
0x36: {  	_ =	swait.ge [sflag:s0], $0x1000  }
0x37: {  	[sflag:s0] =	ssyncset.done $0x0  }
0x38: {  	s23 =	simm.s32 $0x10;
	[sflag:s0] =	ssyncadd.s32 $0xFFFFF000  }
0x39: {  	s24 =	sand.u32 $0xC00, s2;
	s25 =	sand.u32 $0x70, s23;
	v0 =	vld [tilespmem:s23+$0x0]  }
0x3a: {  	s26 =	sor.u32 s24, s25;
	v1 =	vld [tilespmem:s23+$0xFFFFFFF0]  }
0x3b: {  	v2 =	vld [tilespmem:s26+$0xC400]  }
0x3c: {  	v3 =	vld [tilespmem:s26+$0x500]  }
0x3d: {  	v4 =	vld [tilespmem:s26+$0xC300]  }
0x3e: {  	v6 =	vld [tilespmem:s26+$0xC380]  }
0x3f: {  	v7 =	vld [tilespmem:s26+$0x400]  }
0x40: {  	v8 =	vld [tilespmem:s26+$0xC200]  }
0x41: {  	v10 =	vld [tilespmem:s26+$0x300]  }
0x42: {  	v12 =	vld [tilespmem:s26+$0x200]  }
0x43: {  	v14 =	vld [tilespmem:s26+$0x280]  }
0x44: {  	v20 =	vld [tilespmem:s26+$0x380]  }
0x45: {  	v53 =	vld [tilespmem:s26+$0x480]  }
0x46: {  	v22 =	vld [tilespmem:s26+$0x580]  }
0x47: {  	s29 =	simm.s32 $0x0;
	v23 =	vld [tilespmem:s26+$0xC480]  }
0x48: {  	s30 =	sand.u32 $0x60, s29;
	v24 =	vld [tilespmem:s26+$0xC500]  }
0x49: {  	s25 =	sor.u32 s30, s24;
	v26 =	vld [tilespmem:s26+$0xC580]  }
0x4a: {  	v29 =	vld [tilespmem:s25+$0x200];
	v5 =	vshll.u32 v0, $0x3  }
0x4b: {  	v30 =	vld [tilespmem:s25+$0x280];
	v0 =	vand.u32 $0x7F, v0;
	v19 =	vshll.u32 v1, $0x3;
	v5 =	vand.u32 $0xFFFFFC00, v5  }
0x4c: {  	v33 =	vld [tilespmem:s25+$0xC200];
	v1 =	vand.u32 $0x7F, v1;
	v19 =	vand.u32 $0xFFFFFC00, v19;
	v0 =	vor.u32 v0, v5  }
0x4d: {  	v54 =	vld [tilespmem:s25+$0xC280];
	v1 =	vor.u32 v1, v19  }
0x4e: {  	v56 =	vld [tilespmem:s25+$0x380];
	v9 =	vor.u32 $0x300, v0  }
0x4f: {  	v60 =	vld [tilespmem:s25+$0xC300];
	v11 =	vor.u32 $0x200, v0  }
0x50: {  	v5 =	vld [tilespmem:s26+$0xC280];
	v13 =	vor.u32 $0x100, v0  }
0x51: {  	v15 =	vor.u32 $0x80, v0;
	v16 =	vld.idx.msk [tilespmem:v0+s18+$0x0], $0xffff  }
0x52: {  	v17 =	vor.u32 $0x180, v0;
	v28 =	vld.idx.msk [tilespmem:v1+s18+$0x0], $0xffff  }
0x53: {  	v18 =	vor.u32 $0x280, v0;
	v9 =	vld.idx.msk [tilespmem:v9+s18+$0x0], $0xffff  }
0x54: {  	v21 =	vor.u32 $0x80, v1;
	v11 =	vld.idx.msk [tilespmem:v11+s18+$0x0], $0xffff  }
0x55: {  	v25 =	vor.u32 $0x100, v1;
	v13 =	vld.idx.msk [tilespmem:v13+s18+$0x0], $0xffff  }
0x56: {  	v27 =	vor.u32 $0x180, v1;
	v15 =	vld.idx.msk [tilespmem:v15+s18+$0x0], $0xffff  }
0x57: {  	v0 =	vor.u32 $0x380, v0;
	v17 =	vld.idx.msk [tilespmem:v17+s18+$0x0], $0xffff  }
0x58: {  	v32 =	vor.u32 $0x280, v1;
	v18 =	vld.idx.msk [tilespmem:v18+s18+$0x0], $0xffff  }
0x59: {  	v31 =	vor.u32 $0x200, v1;
	v58 =	vor.u32 $0x300, v1;
	v1 =	vor.u32 $0x380, v1;
	v21 =	vld.idx.msk [tilespmem:v21+s18+$0x0], $0xffff  }
0x5a: {  	v25 =	vld.idx.msk [tilespmem:v25+s18+$0x0], $0xffff;
	v12 =	vmul.f32 v16, v12  }
0x5b: {  	v27 =	vld.idx.msk [tilespmem:v27+s18+$0x0], $0xffff;
	v14 =	vmul.f32 v15, v14  }
0x5c: {  	v0 =	vld.idx.msk [tilespmem:v0+s18+$0x0], $0xffff;
	v10 =	vmul.f32 v13, v10;
	v8 =	vmul.f32 v12, v8  }
0x5d: {  	v59 =	vld.idx.msk [tilespmem:v32+s18+$0x0], $0xffff;
	v55 =	vmul.f32 v17, v20;
	v5 =	vmul.f32 v14, v5  }
0x5e: {  	v1 =	vld.idx.msk [tilespmem:v1+s18+$0x0], $0xffff;
	v7 =	vmul.f32 v11, v7;
	v4 =	vmul.f32 v10, v4;
	v8 =	vadd.f32 $0.0e+00, v8  }
0x5f: {  	v11 =	vld [tilespmem:s25+$0x300];
	v57 =	vmul.f32 v18, v53;
	v6 =	vmul.f32 v55, v6;
	v5 =	vadd.f32 $0.0e+00, v5  }
0x60: {  	v3 =	vmul.f32 v9, v3;
	v9 =	vld [tilespmem:s25+$0x480];
	v2 =	vmul.f32 v7, v2;
	v4 =	vadd.f32 v4, v8  }
0x61: {  	v10 =	vld.idx.msk [tilespmem:v31+s18+$0x0], $0xffff;
	v0 =	vmul.f32 v0, v22;
	v5 =	vadd.f32 v6, v5;
	v6 =	vmul.f32 v57, v23  }
0x62: {  	v7 =	vld [tilespmem:s25+$0xC380];
	v3 =	vmul.f32 v3, v24;
	v2 =	vadd.f32 v2, v4  }
0x63: {  	v8 =	vld [tilespmem:s25+$0x400];
	v4 =	vadd.f32 v6, v5;
	v5 =	vmul.f32 v0, v26;
	v6 =	vmul.f32 v28, v29  }
0x64: {  	v0 =	vld.idx.msk [tilespmem:v58+s18+$0x0], $0xffff;
	v3 =	vadd.f32 v3, v2;
	v2 =	vmul.f32 v21, v30  }
0x65: {  	v4 =	vadd.f32 v5, v4;
	v5 =	vmul.f32 v6, v33;
	v6 =	vmul.f32 v25, v11;
	v11 =	vld [tilespmem:s25+$0xC400]  }
0x66: {  	v12 =	vmul.f32 v27, v56;
	v61 =	vmul.f32 v2, v54;
	v2 =	vld [tilespmem:s25+$0xC480]  }
0x67: {  	v62 =	vadd.f32 v4, v3;
	v3 =	vadd.f32 $0.0e+00, v5;
	v4 =	vmul.f32 v6, v60;
	v5 =	vld [tilespmem:s25+$0x500]  }
0x68: {  	v7 =	vmul.f32 v12, v7;
	v8 =	vmul.f32 v10, v8;
	v6 =	vld [tilespmem:s25+$0x580];
	v63 =	vadd.f32 $0.0e+00, v61  }
0x69: {  	s28 =	simm.s32 $0x100;
	s23 =	simm.s32 $0x10210;
	v9 =	vmul.f32 v59, v9;
	v4 =	vadd.f32 v4, v3;
	v3 =	vld [tilespmem:s25+$0xC500]  }
0x6a: {  	s24 =	simm.s32 $0x0;
	s26 =	simm.s32 $0x30;
	[tilespmem:s23+$0x0] =	vst v62;
	v7 =	vadd.f32 v7, v63;
	v10 =	vmul.f32 v8, v11;
	v8 =	vld [tilespmem:s25+$0xC580];
	s25 =	simm.s32 $0x30  }
.LBB2_2:
0x6b: {  	s29 =	sadd.s32 $0xFFFFFFF0, s26;
	s21 =	sand.u32 $0xC00, s28;
	v11 =	vld [tilespmem:s25+$0x0];
	s30 =	sand.u32 $0x70, s26;
	v2 =	vmul.f32 v9, v2  }
0x6c: {  	v9 =	vld [tilespmem:s25+$0xFFFFFFF0];
	s29 =	sand.u32 $0x60, s29;
	s30 =	sor.u32 s21, s30;
	v4 =	vadd.f32 v10, v4;
	v0 =	vmul.f32 v0, v5  }
0x6d: {  	s29 =	sor.u32 s29, s21;
	v5 =	vld [tilespmem:s30+$0xC400];
	v2 =	vadd.f32 v2, v7;
	v1 =	vmul.f32 v1, v6  }
0x6e: {  	s24 =	sadd.s32 $0x2, s24;
	v6 =	vld [tilespmem:s30+$0x500];
	v0 =	vmul.f32 v0, v3  }
0x6f: {  	p0 =	slt.u32 s24, $0x1E;
	v3 =	vld [tilespmem:s30+$0xC300];
	v1 =	vmul.f32 v1, v8  }
0x70: {  	v7 =	vshll.u32 v11, $0x3;
	v8 =	vld [tilespmem:s30+$0xC380];
	v0 =	vadd.f32 v0, v4  }
0x71: {  	v10 =	vand.u32 $0x7F, v11;
	v4 =	vshll.u32 v9, $0x3;
	v7 =	vand.u32 $0xFFFFFC00, v7;
	v11 =	vld [tilespmem:s30+$0x400]  }
0x72: {  	v9 =	vand.u32 $0x7F, v9;
	v4 =	vand.u32 $0xFFFFFC00, v4;
	v12 =	vld [tilespmem:s30+$0xC200];
	v7 =	vor.u32 v10, v7  }
0x73: {  	v1 =	vadd.f32 v1, v2;
	v4 =	vor.u32 v9, v4;
	v9 =	vld [tilespmem:s30+$0xC280];
	v10 =	vor.u32 $0x300, v7  }
0x74: {  	v15 =	vor.u32 $0x200, v7;
	v2 =	vor.u32 $0x80, v4;
	v13 =	vor.u32 $0x100, v4;
	v14 =	vld [tilespmem:s30+$0x300]  }
0x75: {  	v19 =	vor.u32 $0x100, v7;
	v16 =	vor.u32 $0x180, v4;
	v17 =	vor.u32 $0x200, v4;
	v18 =	vld [tilespmem:s30+$0x200]  }
0x76: {  	v23 =	vor.u32 $0x80, v7;
	v20 =	vor.u32 $0x280, v4;
	v21 =	vor.u32 $0x300, v4;
	v22 =	vld [tilespmem:s30+$0x280]  }
0x77: {  	v26 =	vor.u32 $0x180, v7;
	v0 =	vadd.f32 v1, v0;
	v24 =	vor.u32 $0x380, v4;
	v25 =	vld.idx.msk [tilespmem:v7+s18+$0x0], $0xffff  }
0x78: {  	v1 =	vld.idx.msk [tilespmem:v10+s18+$0x0], $0xffff  }
0x79: {  	v10 =	vld.idx.msk [tilespmem:v15+s18+$0x0], $0xffff;
	v15 =	vor.u32 $0x280, v7;
	[tilespmem:s23+$0xFFFFFFF0] =	vst v0  }
0x7a: {  	v0 =	vld.idx.msk [tilespmem:v19+s18+$0x0], $0xffff  }
0x7b: {  	v7 =	vor.u32 $0x380, v7;
	v19 =	vld.idx.msk [tilespmem:v23+s18+$0x0], $0xffff  }
0x7c: {  	v23 =	vld.idx.msk [tilespmem:v26+s18+$0x0], $0xffff  }
0x7d: {  	v26 =	vld [tilespmem:s30+$0x380]  }
0x7e: {  	v15 =	vld.idx.msk [tilespmem:v15+s18+$0x0], $0xffff  }
0x7f: {  	v27 =	vld [tilespmem:s30+$0x480]  }
0x80: {  	v18 =	vmul.f32 v25, v18;
	v1 =	vmul.f32 v1, v6;
	v6 =	vld.idx.msk [tilespmem:v7+s18+$0x0], $0xffff  }
0x81: {  	v10 =	vmul.f32 v10, v11;
	v7 =	vmul.f32 v19, v22;
	v11 =	vld [tilespmem:s30+$0x580]  }
0x82: {  	v0 =	vmul.f32 v0, v14;
	v14 =	vmul.f32 v23, v26;
	v19 =	vld [tilespmem:s30+$0xC480]  }
0x83: {  	v12 =	vmul.f32 v18, v12;
	v7 =	vmul.f32 v7, v9;
	v9 =	vld [tilespmem:s30+$0xC500]  }
0x84: {  	v0 =	vmul.f32 v0, v3;
	v3 =	vmul.f32 v15, v27;
	v15 =	vld [tilespmem:s30+$0xC580]  }
0x85: {  	v12 =	vadd.f32 $0.0e+00, v12;
	v7 =	vadd.f32 $0.0e+00, v7;
	v8 =	vmul.f32 v14, v8;
	v2 =	vld.idx.msk [tilespmem:v2+s18+$0x0], $0xffff  }
0x86: {  	v5 =	vmul.f32 v10, v5;
	v4 =	vld.idx.msk [tilespmem:v4+s18+$0x0], $0xffff;
	v6 =	vmul.f32 v6, v11  }
0x87: {  	v0 =	vadd.f32 v0, v12;
	v7 =	vadd.f32 v8, v7;
	v10 =	vld [tilespmem:s29+$0x200];
	v3 =	vmul.f32 v3, v19  }
0x88: {  	v8 =	vld [tilespmem:s29+$0x280];
	v1 =	vmul.f32 v1, v9  }
0x89: {  	v0 =	vadd.f32 v5, v0;
	v9 =	vld.idx.msk [tilespmem:v13+s18+$0x0], $0xffff;
	v3 =	vadd.f32 v3, v7;
	v5 =	vmul.f32 v6, v15  }
0x8a: {  	v6 =	vld.idx.msk [tilespmem:v16+s18+$0x0], $0xffff  }
0x8b: {  	v0 =	vadd.f32 v1, v0;
	v7 =	vld [tilespmem:s29+$0xC200];
	v1 =	vadd.f32 v5, v3  }
0x8c: {  	v3 =	vmul.f32 v4, v10;
	v4 =	vld [tilespmem:s29+$0xC280]  }
0x8d: {  	v2 =	vmul.f32 v2, v8;
	v5 =	vld [tilespmem:s29+$0x300];
	v0 =	vadd.f32 v1, v0  }
0x8e: {  	s23 =	sadd.s32 $0x20, s23;
	v1 =	vld [tilespmem:s29+$0x380]  }
0x8f: {  	v8 =	vld.idx.msk [tilespmem:v17+s18+$0x0], $0xffff;
	[tilespmem:s23+$0x0] =	vst v0  }
0x90: {  	v0 =	vmul.f32 v3, v7;
	v3 =	vld.idx.msk [tilespmem:v20+s18+$0x0], $0xffff  }
0x91: {  	v2 =	vmul.f32 v2, v4;
	v4 =	vld [tilespmem:s29+$0xC300]  }
0x92: {  	v7 =	vadd.f32 $0.0e+00, v0;
	v5 =	vmul.f32 v9, v5;
	v9 =	vld [tilespmem:s29+$0xC380]  }
0x93: {  	v10 =	vadd.f32 $0.0e+00, v2;
	v2 =	vmul.f32 v6, v1;
	v6 =	vld [tilespmem:s29+$0x400]  }
0x94: {  	v11 =	vld [tilespmem:s29+$0x480]  }
0x95: {  	v0 =	vld.idx.msk [tilespmem:v21+s18+$0x0], $0xffff  }
0x96: {  	v4 =	vmul.f32 v5, v4;
	v1 =	vld.idx.msk [tilespmem:v24+s18+$0x0], $0xffff  }
0x97: {  	v5 =	vmul.f32 v2, v9;
	v12 =	vld [tilespmem:s29+$0xC400]  }
.Ltmp0:
0x98: {  	v4 =	vadd.f32 v4, v7;
	v8 =	vmul.f32 v8, v6;
	v2 =	vld [tilespmem:s29+$0xC480];
	(pc) =	sbr.rel @p0 .LBB2_2-.Ltmp0, $4  }
0x99: {  	v7 =	vadd.f32 v5, v10;
	v9 =	vmul.f32 v3, v11;
	v5 =	vld [tilespmem:s29+$0x500]  }
0x9a: {  	v6 =	vld [tilespmem:s29+$0x580]  }
0x9b: {  	v3 =	vld [tilespmem:s29+$0xC500]  }
0x9c: {  	s26 =	sadd.s32 $0x20, s26;
	s28 =	sadd.s32 $0x100, s28;
	s25 =	sadd.s32 $0x20, s25;
	v10 =	vmul.f32 v8, v12;
	v8 =	vld [tilespmem:s29+$0xC580]  }
0x9d: {  	_ = 	snop  }
0x9e: {  	v2 =	vmul.f32 v9, v2  }
0x9f: {  	v0 =	vmul.f32 v0, v5;
	v1 =	vmul.f32 v1, v6  }
0xa0: {  	v4 =	vadd.f32 v10, v4  }
0xa1: {  	v2 =	vadd.f32 v2, v7;
	v0 =	vmul.f32 v0, v3;
	v1 =	vmul.f32 v1, v8;
	_ =	sdelay $0x1  }
0xa2: {  	v0 =	vadd.f32 v0, v4;
	v1 =	vadd.f32 v1, v2;
	_ =	sdelay $0x1  }
0xa3: {  	v0 =	vadd.f32 v1, v0;
	_ =	sdelay $0x1  }
0xa4: {  	[tilespmem:s23+$0xFFFFFFF0] =	vst v0  }
0xa5: {  	_ =	swait.ge [sflag:s1], $0x2000  }
0xa6: {  	[sflag:s1] =	ssyncset.done $0x0  }
0xa7: {  	[sflag:s1] =	ssyncadd.s32 $0xFFFFE000  }
0xa8: {  	_ =	swait.ge [sflag:s1], $0x1000  }
0xa9: {  	[sflag:s1] =	ssyncset.done $0x0  }
0xaa: {  	[sflag:s1] =	ssyncadd.s32 $0xFFFFF000  }
0xab: {  	_ =	swait.ge [sflag:s1], $0x1000  }
0xac: {  	[sflag:s1] =	ssyncset.done $0x0  }
0xad: {  	s24 =	simm.s32 $0x0;
	s23 =	simm.s32 $0x10;
	[sflag:s1] =	ssyncadd.s32 $0xFFFFF000  }
0xae: {  	s25 =	sand.u32 $0xC00, s24;
	s21 =	sand.u32 $0x70, s23;
	v0 =	vld [tilespmem:s23+$0x0]  }
0xaf: {  	s26 =	sor.u32 s25, s21;
	v1 =	vld [tilespmem:s23+$0xFFFFFFF0]  }
0xb0: {  	v3 =	vld [tilespmem:s26+$0xD400]  }
0xb1: {  	v5 =	vld [tilespmem:s26+$0x1500]  }
0xb2: {  	v7 =	vld [tilespmem:s26+$0xD380]  }
0xb3: {  	v8 =	vld [tilespmem:s26+$0x1400]  }
0xb4: {  	v9 =	vld [tilespmem:s26+$0xD200]  }
0xb5: {  	v12 =	vld [tilespmem:s26+$0xD280]  }
0xb6: {  	v15 =	vld [tilespmem:s26+$0x1300]  }
0xb7: {  	v16 =	vld [tilespmem:s26+$0x1200]  }
0xb8: {  	v19 =	vld [tilespmem:s26+$0x1280]  }
0xb9: {  	v53 =	vld [tilespmem:s26+$0x1380]  }
0xba: {  	v23 =	vld [tilespmem:s26+$0x1480]  }
0xbb: {  	v25 =	vld [tilespmem:s26+$0x1580]  }
0xbc: {  	v27 =	vld [tilespmem:s26+$0xD480];
	v2 =	vshll.u32 v0, $0x3  }
0xbd: {  	s30 =	simm.s32 $0x0;
	v28 =	vld [tilespmem:s26+$0xD500];
	v4 =	vand.u32 $0x7F, v0;
	v2 =	vand.u32 $0xFFFFFC00, v2  }
0xbe: {  	s21 =	sand.u32 $0x60, s30;
	v30 =	vld [tilespmem:s26+$0xD580];
	v2 =	vor.u32 v4, v2  }
0xbf: {  	v0 =	vand.u32 $0x7, v0;
	v4 =	vld [tilespmem:s26+$0xD300];
	s26 =	sor.u32 s21, s25;
	v6 =	vand.u32 $0xFFFFFC78, v2  }
0xc0: {  	v31 =	vld [tilespmem:s26+$0x1200];
	v6 =	vor.u32 v0, v6  }
0xc1: {  	s25 =	simm.s32 $0x10210;
	v10 =	vadd.s32 $0x2100, v2;
	v32 =	vld [tilespmem:s26+$0x1280];
	v11 =	vadd.s32 $0x2300, v6  }
0xc2: {  	v14 =	vadd.s32 $0x2080, v2;
	v55 =	vld [tilespmem:s25+$0x0];
	v10 =	vand.u32 $0xFFFFFD78, v10;
	v17 =	vadd.s32 $0x2000, v6  }
0xc3: {  	v18 =	vadd.s32 $0x2180, v2;
	v58 =	vld [tilespmem:s26+$0xD200];
	v14 =	vand.u32 $0xFFFFFCF8, v14;
	v10 =	vor.u32 v0, v10  }
0xc4: {  	v59 =	vld [tilespmem:s26+$0xD280];
	v18 =	vand.u32 $0xFFFFFDF8, v18;
	v14 =	vor.u32 v0, v14  }
0xc5: {  	v2 =	vadd.s32 $0x2280, v2;
	v61 =	vld [tilespmem:s26+$0x1400];
	v18 =	vor.u32 v0, v18  }
0xc6: {  	v52 =	vshll.u32 v1, $0x3;
	v2 =	vand.u32 $0xFFFFFEF8, v2;
	v13 =	vadd.s32 $0x2200, v6;
	v11 =	vld.idx.msk [tilespmem:v11+s18+$0x0], $0xffff  }
0xc7: {  	v20 =	vand.u32 $0x7F, v1;
	v0 =	vor.u32 v0, v2;
	v2 =	vld.idx.msk [tilespmem:v17+s18+$0x0], $0xffff;
	v17 =	vand.u32 $0xFFFFFC00, v52  }
0xc8: {  	v1 =	vand.u32 $0x7, v1;
	v6 =	vadd.s32 $0x2380, v6;
	v10 =	vld.idx.msk [tilespmem:v10+s18+$0x0], $0xffff;
	v17 =	vor.u32 v20, v17  }
0xc9: {  	v14 =	vld.idx.msk [tilespmem:v14+s18+$0x0], $0xffff;
	v21 =	vand.u32 $0xFFFFFC78, v17;
	v22 =	vadd.s32 $0x2080, v17;
	v26 =	vadd.s32 $0x2100, v17  }
0xca: {  	v18 =	vld.idx.msk [tilespmem:v18+s18+$0x0], $0xffff;
	v29 =	vadd.s32 $0x2180, v17;
	v21 =	vor.u32 v1, v21;
	v22 =	vand.u32 $0xFFFFFCF8, v22  }
0xcb: {  	v13 =	vld.idx.msk [tilespmem:v13+s18+$0x0], $0xffff;
	v26 =	vand.u32 $0xFFFFFD78, v26;
	v29 =	vand.u32 $0xFFFFFDF8, v29;
	v24 =	vadd.s32 $0x2000, v21  }
0xcc: {  	v0 =	vld.idx.msk [tilespmem:v0+s18+$0x0], $0xffff;
	v22 =	vor.u32 v1, v22;
	v26 =	vor.u32 v1, v26;
	v29 =	vor.u32 v1, v29  }
0xcd: {  	v62 =	vld [tilespmem:s26+$0x1480];
	v5 =	vmul.f32 v11, v5;
	v11 =	vadd.s32 $0x2280, v17;
	v10 =	vmul.f32 v10, v15  }
0xce: {  	v6 =	vld.idx.msk [tilespmem:v6+s18+$0x0], $0xffff;
	v2 =	vmul.f32 v2, v16;
	v14 =	vmul.f32 v14, v19;
	v11 =	vand.u32 $0xFFFFFEF8, v11  }
0xcf: {  	v1 =	vor.u32 v1, v11;
	v11 =	vmul.f32 v18, v53;
	v4 =	vmul.f32 v10, v4;
	v10 =	vld [tilespmem:s26+$0x1300]  }
0xd0: {  	v2 =	vmul.f32 v2, v9;
	v9 =	vmul.f32 v14, v12;
	v24 =	vld.idx.msk [tilespmem:v24+s18+$0x0], $0xffff  }
0xd1: {  	v56 =	vadd.s32 $0x2200, v21;
	v8 =	vmul.f32 v13, v8;
	v0 =	vmul.f32 v0, v23;
	v22 =	vld.idx.msk [tilespmem:v22+s18+$0x0], $0xffff  }
0xd2: {  	v54 =	vld.idx.msk [tilespmem:v26+s18+$0x0], $0xffff;
	v2 =	vadd.f32 $0.0e+00, v2;
	v9 =	vadd.f32 $0.0e+00, v9;
	v7 =	vmul.f32 v11, v7  }
0xd3: {  	v60 =	vadd.s32 $0x2300, v21;
	v6 =	vmul.f32 v6, v25;
	v3 =	vmul.f32 v8, v3;
	v57 =	vld.idx.msk [tilespmem:v29+s18+$0x0], $0xffff  }
0xd4: {  	v0 =	vmul.f32 v0, v27;
	v11 =	vld [tilespmem:s26+$0x1380];
	v2 =	vadd.f32 v4, v2;
	v4 =	vadd.f32 v7, v9  }
0xd5: {  	v7 =	vadd.s32 $0x2380, v21;
	v9 =	vld.idx.msk [tilespmem:v1+s18+$0x0], $0xffff;
	v1 =	vmul.f32 v5, v28  }
0xd6: {  	v5 =	vld [tilespmem:s26+$0xD300];
	v2 =	vadd.f32 v3, v2;
	v0 =	vadd.f32 v0, v4;
	v3 =	vmul.f32 v6, v30  }
0xd7: {  	v6 =	vld [tilespmem:s26+$0xD380];
	v4 =	vmul.f32 v24, v31  }
0xd8: {  	v8 =	vld.idx.msk [tilespmem:v56+s18+$0x0], $0xffff;
	v2 =	vadd.f32 v1, v2;
	v0 =	vadd.f32 v3, v0;
	v3 =	vmul.f32 v22, v32  }
0xd9: {  	v10 =	vmul.f32 v54, v10;
	v1 =	vld.idx.msk [tilespmem:v60+s18+$0x0], $0xffff;
	v4 =	vmul.f32 v4, v58  }
0xda: {  	v11 =	vmul.f32 v57, v11;
	v2 =	vadd.f32 v0, v2;
	v3 =	vmul.f32 v3, v59;
	v0 =	vld.idx.msk [tilespmem:v7+s18+$0x0], $0xffff  }
0xdb: {  	v5 =	vmul.f32 v10, v5;
	v63 =	vadd.f32 $0.0e+00, v4;
	v4 =	vld [tilespmem:s26+$0xD400]  }
0xdc: {  	v7 =	vld [tilespmem:s26+$0xD480];
	v6 =	vmul.f32 v11, v6;
	v10 =	vadd.f32 v2, v55;
	v3 =	vadd.f32 $0.0e+00, v3  }
0xdd: {  	v2 =	vadd.f32 v5, v63;
	v5 =	vld [tilespmem:s26+$0x1500]  }
0xde: {  	s28 =	simm.s32 $0x0;
	s29 =	simm.s32 $0x30;
	v8 =	vmul.f32 v8, v61;
	v9 =	vmul.f32 v9, v62;
	[tilespmem:s25+$0x0] =	vst v10;
	v3 =	vadd.f32 v6, v3;
	v6 =	vld [tilespmem:s26+$0x1580]  }
.LBB2_4:
0xdf: {  	v10 =	vld [tilespmem:s29+$0x0]  }
0xe0: {  	v11 =	vld [tilespmem:s29+$0xFFFFFFF0];
	v4 =	vmul.f32 v8, v4  }
0xe1: {  	s23 =	sadd.s32 $0x20, s23;
	s24 =	sadd.s32 $0x100, s24;
	v7 =	vmul.f32 v9, v7;
	v8 =	vld [tilespmem:s26+$0xD500]  }
0xe2: {  	s21 =	sadd.s32 $0xFFFFFFF0, s23;
	s3 =	sand.u32 $0xC00, s24;
	s30 =	sand.u32 $0x70, s23;
	v2 =	vadd.f32 v4, v2;
	v1 =	vmul.f32 v1, v5;
	v4 =	vld [tilespmem:s26+$0xD580]  }
0xe3: {  	s28 =	sadd.s32 $0x2, s28;
	s21 =	sand.u32 $0x60, s21;
	s30 =	sor.u32 s3, s30;
	v3 =	vadd.f32 v7, v3;
	v0 =	vmul.f32 v0, v6;
	v5 =	vld [tilespmem:s25+$0xFFFFFFF0]  }
0xe4: {  	p0 =	slt.u32 s28, $0x1E;
	s26 =	sor.u32 s21, s3;
	v6 =	vshll.u32 v10, $0x3;
	v7 =	vld [tilespmem:s30+$0xD400]  }
0xe5: {  	v12 =	vand.u32 $0x7F, v10;
	v9 =	vshll.u32 v11, $0x3;
	v6 =	vand.u32 $0xFFFFFC00, v6;
	v13 =	vld [tilespmem:s30+$0x1500]  }
0xe6: {  	v14 =	vand.u32 $0x7F, v11;
	v9 =	vand.u32 $0xFFFFFC00, v9;
	v6 =	vor.u32 v12, v6;
	v12 =	vld [tilespmem:s30+$0xD300]  }
0xe7: {  	v10 =	vand.u32 $0x7, v10;
	v9 =	vor.u32 v14, v9;
	v14 =	vand.u32 $0xFFFFFC78, v6;
	v15 =	vld [tilespmem:s30+$0xD380]  }
0xe8: {  	v16 =	vand.u32 $0xFFFFFC78, v9;
	v17 =	vadd.s32 $0x2080, v9;
	v14 =	vor.u32 v10, v14;
	v18 =	vld [tilespmem:s30+$0x1400]  }
0xe9: {  	v11 =	vand.u32 $0x7, v11;
	v20 =	vadd.s32 $0x2100, v6;
	v19 =	vld [tilespmem:s30+$0xD200];
	v21 =	vadd.s32 $0x2300, v14  }
0xea: {  	v20 =	vand.u32 $0xFFFFFD78, v20;
	v16 =	vor.u32 v11, v16;
	v23 =	vadd.s32 $0x2200, v14;
	v22 =	vld [tilespmem:s30+$0xD280]  }
0xeb: {  	v24 =	vadd.s32 $0x2080, v6;
	v17 =	vand.u32 $0xFFFFFCF8, v17;
	v20 =	vor.u32 v10, v20;
	v25 =	vld [tilespmem:s30+$0x1300]  }
0xec: {  	v28 =	vadd.s32 $0x2180, v6;
	v24 =	vand.u32 $0xFFFFFCF8, v24;
	v27 =	vadd.s32 $0x2000, v14;
	v26 =	vld [tilespmem:s30+$0x1200]  }
0xed: {  	v28 =	vand.u32 $0xFFFFFDF8, v28;
	v24 =	vor.u32 v10, v24;
	v29 =	vadd.s32 $0x2000, v16;
	v30 =	vld [tilespmem:s30+$0x1280]  }
0xee: {  	v6 =	vadd.s32 $0x2280, v6;
	v28 =	vor.u32 v10, v28;
	v17 =	vor.u32 v11, v17;
	v21 =	vld.idx.msk [tilespmem:v21+s18+$0x0], $0xffff  }
0xef: {  	v31 =	vadd.s32 $0x2100, v9;
	v32 =	vadd.s32 $0x2180, v9;
	v6 =	vand.u32 $0xFFFFFEF8, v6;
	v23 =	vld.idx.msk [tilespmem:v23+s18+$0x0], $0xffff  }
0xf0: {  	v31 =	vand.u32 $0xFFFFFD78, v31;
	v32 =	vand.u32 $0xFFFFFDF8, v32;
	v6 =	vor.u32 v10, v6;
	v20 =	vld.idx.msk [tilespmem:v20+s18+$0x0], $0xffff  }
0xf1: {  	v9 =	vadd.s32 $0x2280, v9;
	v10 =	vor.u32 v11, v31;
	v31 =	vor.u32 v11, v32;
	v27 =	vld.idx.msk [tilespmem:v27+s18+$0x0], $0xffff  }
0xf2: {  	v9 =	vand.u32 $0xFFFFFEF8, v9;
	v14 =	vadd.s32 $0x2380, v14;
	v32 =	vadd.s32 $0x2200, v16;
	v24 =	vld.idx.msk [tilespmem:v24+s18+$0x0], $0xffff  }
0xf3: {  	v9 =	vor.u32 v11, v9;
	v11 =	vadd.s32 $0x2300, v16;
	v16 =	vadd.s32 $0x2380, v16;
	v28 =	vld.idx.msk [tilespmem:v28+s18+$0x0], $0xffff  }
0xf4: {  	v1 =	vmul.f32 v1, v8;
	v0 =	vmul.f32 v0, v4;
	v33 =	vld [tilespmem:s30+$0x1380]  }
0xf5: {  	v4 =	vld.idx.msk [tilespmem:v6+s18+$0x0], $0xffff  }
0xf6: {  	v1 =	vadd.f32 v1, v2;
	v0 =	vadd.f32 v0, v3;
	v6 =	vld [tilespmem:s30+$0x1480]  }
0xf7: {  	v3 =	vmul.f32 v21, v13;
	v2 =	vmul.f32 v23, v18;
	v8 =	vld.idx.msk [tilespmem:v14+s18+$0x0], $0xffff  }
0xf8: {  	v0 =	vadd.f32 v0, v1;
	v13 =	vmul.f32 v27, v26;
	v14 =	vmul.f32 v24, v30;
	v18 =	vld [tilespmem:s30+$0x1580]  }
0xf9: {  	v1 =	vmul.f32 v20, v25;
	v20 =	vmul.f32 v28, v33;
	v21 =	vld [tilespmem:s30+$0xD480]  }
0xfa: {  	v0 =	vadd.f32 v0, v5;
	v13 =	vmul.f32 v13, v19;
	v14 =	vmul.f32 v14, v22;
	v19 =	vld [tilespmem:s30+$0xD500]  }
0xfb: {  	v1 =	vmul.f32 v1, v12;
	v4 =	vmul.f32 v4, v6;
	v5 =	vld [tilespmem:s30+$0xD580]  }
0xfc: {  	v12 =	vadd.f32 $0.0e+00, v13;
	v13 =	vadd.f32 $0.0e+00, v14;
	v14 =	vmul.f32 v20, v15;
	v6 =	vld.idx.msk [tilespmem:v29+s18+$0x0], $0xffff;
	[tilespmem:s25+$0xFFFFFFF0] =	vst v0  }
0xfd: {  	v2 =	vmul.f32 v2, v7;
	v0 =	vld.idx.msk [tilespmem:v17+s18+$0x0], $0xffff;
	v7 =	vmul.f32 v8, v18  }
0xfe: {  	v1 =	vadd.f32 v1, v12;
	v12 =	vadd.f32 v14, v13;
	v8 =	vld [tilespmem:s26+$0x1200];
	v4 =	vmul.f32 v4, v21  }
0xff: {  	v13 =	vld [tilespmem:s26+$0x1280];
	v3 =	vmul.f32 v3, v19  }
0x100: {  	s25 =	sadd.s32 $0x20, s25;
	v1 =	vadd.f32 v2, v1;
	v10 =	vld.idx.msk [tilespmem:v10+s18+$0x0], $0xffff;
	v2 =	vadd.f32 v4, v12;
	v4 =	vmul.f32 v7, v5  }
0x101: {  	v5 =	vld [tilespmem:s25+$0x0]  }
0x102: {  	v1 =	vadd.f32 v3, v1;
	v7 =	vld.idx.msk [tilespmem:v31+s18+$0x0], $0xffff;
	v2 =	vadd.f32 v4, v2  }
0x103: {  	v3 =	vld [tilespmem:s26+$0xD200];
	v4 =	vmul.f32 v6, v8  }
0x104: {  	v6 =	vld [tilespmem:s26+$0xD280];
	v0 =	vmul.f32 v0, v13;
	v1 =	vadd.f32 v2, v1  }
0x105: {  	v2 =	vld [tilespmem:s26+$0x1300]  }
0x106: {  	v8 =	vld [tilespmem:s26+$0x1380];
	v1 =	vadd.f32 v1, v5  }
0x107: {  	v5 =	vld.idx.msk [tilespmem:v32+s18+$0x0], $0xffff  }
0x108: {  	v3 =	vmul.f32 v4, v3;
	v9 =	vld.idx.msk [tilespmem:v9+s18+$0x0], $0xffff;
	[tilespmem:s25+$0x0] =	vst v1  }
0x109: {  	v0 =	vmul.f32 v0, v6;
	v4 =	vld [tilespmem:s26+$0xD300]  }
0x10a: {  	v3 =	vadd.f32 $0.0e+00, v3;
	v2 =	vmul.f32 v10, v2;
	v6 =	vld [tilespmem:s26+$0xD380]  }
0x10b: {  	v10 =	vadd.f32 $0.0e+00, v0;
	v7 =	vmul.f32 v7, v8;
	v8 =	vld [tilespmem:s26+$0x1400]  }
0x10c: {  	v12 =	vld [tilespmem:s26+$0x1480]  }
0x10d: {  	v1 =	vld.idx.msk [tilespmem:v11+s18+$0x0], $0xffff  }
.Ltmp1:
0x10e: {  	v2 =	vmul.f32 v2, v4;
	v0 =	vld.idx.msk [tilespmem:v16+s18+$0x0], $0xffff;
	(pc) =	sbr.rel @p0 .LBB2_4-.Ltmp1, $4  }
0x10f: {  	v6 =	vmul.f32 v7, v6;
	v4 =	vld [tilespmem:s26+$0xD400]  }
0x110: {  	v2 =	vadd.f32 v2, v3;
	v8 =	vmul.f32 v5, v8;
	v7 =	vld [tilespmem:s26+$0xD480]  }
0x111: {  	v3 =	vadd.f32 v6, v10;
	v9 =	vmul.f32 v9, v12;
	v5 =	vld [tilespmem:s26+$0x1500]  }
0x112: {  	s29 =	sadd.s32 $0x20, s29;
	v6 =	vld [tilespmem:s26+$0x1580]  }
0x113: {  	v10 =	vld [tilespmem:s26+$0xD500]  }
0x114: {  	v11 =	vld [tilespmem:s26+$0xD580];
	_ =	sdelay $0x1  }
0x115: {  	v4 =	vmul.f32 v8, v4;
	v7 =	vmul.f32 v9, v7  }
0x116: {  	v1 =	vmul.f32 v1, v5;
	v0 =	vmul.f32 v0, v6  }
0x117: {  	v2 =	vadd.f32 v4, v2  }
0x118: {  	v3 =	vadd.f32 v7, v3;
	v1 =	vmul.f32 v1, v10;
	v0 =	vmul.f32 v0, v11  }
0x119: {  	v4 =	vld [tilespmem:s25+$0xFFFFFFF0]  }
0x11a: {  	v1 =	vadd.f32 v1, v2;
	v0 =	vadd.f32 v0, v3;
	_ =	sdelay $0x1  }
0x11b: {  	v0 =	vadd.f32 v0, v1;
	_ =	sdelay $0x1  }
0x11c: {  	v0 =	vadd.f32 v0, v4;
	_ =	sdelay $0x1  }
0x11d: {  	[tilespmem:s25+$0xFFFFFFF0] =	vst v0  }
0x11e: {  	_ =	swait.ge [sflag:s19], $0x2000  }
0x11f: {  	[sflag:s19] =	ssyncset.done $0x0  }
0x120: {  	[sflag:s19] =	ssyncadd.s32 $0xFFFFE000  }
0x121: {  	_ =	swait.ge [sflag:s19], $0x1000  }
0x122: {  	[sflag:s19] =	ssyncset.done $0x0  }
0x123: {  	[sflag:s19] =	ssyncadd.s32 $0xFFFFF000  }
0x124: {  	_ =	swait.ge [sflag:s19], $0x1000  }
0x125: {  	[sflag:s19] =	ssyncset.done $0x0  }
0x126: {  	s23 =	simm.s32 $0x10;
	s24 =	simm.s32 $0x0;
	[sflag:s19] =	ssyncadd.s32 $0xFFFFF000  }
0x127: {  	s3 =	sand.u32 $0x70, s23;
	s25 =	sand.u32 $0xC00, s24;
	v0 =	vld [tilespmem:s23+$0x0]  }
0x128: {  	s21 =	sor.u32 s25, s3;
	v1 =	vld [tilespmem:s23+$0xFFFFFFF0]  }
0x129: {  	v3 =	vld [tilespmem:s21+$0xE400]  }
0x12a: {  	v5 =	vld [tilespmem:s21+$0x2500]  }
0x12b: {  	v7 =	vld [tilespmem:s21+$0xE380]  }
0x12c: {  	v8 =	vld [tilespmem:s21+$0x2400]  }
0x12d: {  	v9 =	vld [tilespmem:s21+$0xE200]  }
0x12e: {  	v12 =	vld [tilespmem:s21+$0xE280]  }
0x12f: {  	v15 =	vld [tilespmem:s21+$0x2300]  }
0x130: {  	v16 =	vld [tilespmem:s21+$0x2200]  }
0x131: {  	v19 =	vld [tilespmem:s21+$0x2280]  }
0x132: {  	v53 =	vld [tilespmem:s21+$0x2380]  }
0x133: {  	v23 =	vld [tilespmem:s21+$0x2480]  }
0x134: {  	v25 =	vld [tilespmem:s21+$0x2580]  }
0x135: {  	s30 =	simm.s32 $0x0;
	v27 =	vld [tilespmem:s21+$0xE480];
	v2 =	vshll.u32 v0, $0x3  }
0x136: {  	s3 =	sand.u32 $0x60, s30;
	v28 =	vld [tilespmem:s21+$0xE500];
	v4 =	vand.u32 $0x7F, v0;
	v2 =	vand.u32 $0xFFFFFC00, v2  }
0x137: {  	s26 =	sor.u32 s3, s25;
	v30 =	vld [tilespmem:s21+$0xE580];
	v2 =	vor.u32 v4, v2  }
0x138: {  	v31 =	vld [tilespmem:s26+$0x2200];
	v0 =	vand.u32 $0x7, v0;
	v6 =	vand.u32 $0xFFFFFC78, v2  }
0x139: {  	s25 =	simm.s32 $0x10210;
	v32 =	vld [tilespmem:s26+$0x2280];
	v6 =	vor.u32 v0, v6  }
0x13a: {  	v55 =	vld [tilespmem:s25+$0x0];
	v10 =	vadd.s32 $0x4100, v2;
	v11 =	vadd.s32 $0x4300, v6  }
0x13b: {  	v58 =	vld [tilespmem:s26+$0xE200];
	v14 =	vadd.s32 $0x4080, v2;
	v10 =	vand.u32 $0xFFFFFD78, v10;
	v17 =	vadd.s32 $0x4000, v6  }
0x13c: {  	v59 =	vld [tilespmem:s26+$0xE280];
	v18 =	vadd.s32 $0x4180, v2;
	v14 =	vand.u32 $0xFFFFFCF8, v14;
	v10 =	vor.u32 v0, v10  }
0x13d: {  	v61 =	vld [tilespmem:s26+$0x2400];
	v18 =	vand.u32 $0xFFFFFDF8, v18;
	v14 =	vor.u32 v0, v14  }
0x13e: {  	v4 =	vld [tilespmem:s21+$0xE300];
	v2 =	vadd.s32 $0x4280, v2;
	v18 =	vor.u32 v0, v18  }
0x13f: {  	v52 =	vshll.u32 v1, $0x3;
	v2 =	vand.u32 $0xFFFFFEF8, v2;
	v13 =	vadd.s32 $0x4200, v6;
	v11 =	vld.idx.msk [tilespmem:v11+s18+$0x0], $0xffff  }
0x140: {  	v20 =	vand.u32 $0x7F, v1;
	v0 =	vor.u32 v0, v2;
	v2 =	vld.idx.msk [tilespmem:v17+s18+$0x0], $0xffff;
	v17 =	vand.u32 $0xFFFFFC00, v52  }
0x141: {  	v1 =	vand.u32 $0x7, v1;
	v6 =	vadd.s32 $0x4380, v6;
	v10 =	vld.idx.msk [tilespmem:v10+s18+$0x0], $0xffff;
	v17 =	vor.u32 v20, v17  }
0x142: {  	v14 =	vld.idx.msk [tilespmem:v14+s18+$0x0], $0xffff;
	v21 =	vand.u32 $0xFFFFFC78, v17;
	v22 =	vadd.s32 $0x4080, v17;
	v26 =	vadd.s32 $0x4100, v17  }
0x143: {  	v18 =	vld.idx.msk [tilespmem:v18+s18+$0x0], $0xffff;
	v29 =	vadd.s32 $0x4180, v17;
	v21 =	vor.u32 v1, v21;
	v22 =	vand.u32 $0xFFFFFCF8, v22  }
0x144: {  	v13 =	vld.idx.msk [tilespmem:v13+s18+$0x0], $0xffff;
	v26 =	vand.u32 $0xFFFFFD78, v26;
	v29 =	vand.u32 $0xFFFFFDF8, v29;
	v24 =	vadd.s32 $0x4000, v21  }
0x145: {  	v0 =	vld.idx.msk [tilespmem:v0+s18+$0x0], $0xffff;
	v22 =	vor.u32 v1, v22;
	v26 =	vor.u32 v1, v26;
	v29 =	vor.u32 v1, v29  }
0x146: {  	v62 =	vld [tilespmem:s26+$0x2480];
	v5 =	vmul.f32 v11, v5;
	v11 =	vadd.s32 $0x4280, v17;
	v10 =	vmul.f32 v10, v15  }
0x147: {  	v6 =	vld.idx.msk [tilespmem:v6+s18+$0x0], $0xffff;
	v2 =	vmul.f32 v2, v16;
	v14 =	vmul.f32 v14, v19;
	v11 =	vand.u32 $0xFFFFFEF8, v11  }
0x148: {  	v1 =	vor.u32 v1, v11;
	v11 =	vmul.f32 v18, v53;
	v4 =	vmul.f32 v10, v4;
	v10 =	vld [tilespmem:s26+$0x2300]  }
0x149: {  	v2 =	vmul.f32 v2, v9;
	v9 =	vmul.f32 v14, v12;
	v24 =	vld.idx.msk [tilespmem:v24+s18+$0x0], $0xffff  }
0x14a: {  	v56 =	vadd.s32 $0x4200, v21;
	v8 =	vmul.f32 v13, v8;
	v0 =	vmul.f32 v0, v23;
	v22 =	vld.idx.msk [tilespmem:v22+s18+$0x0], $0xffff  }
0x14b: {  	v54 =	vld.idx.msk [tilespmem:v26+s18+$0x0], $0xffff;
	v2 =	vadd.f32 $0.0e+00, v2;
	v9 =	vadd.f32 $0.0e+00, v9;
	v7 =	vmul.f32 v11, v7  }
0x14c: {  	v60 =	vadd.s32 $0x4300, v21;
	v6 =	vmul.f32 v6, v25;
	v3 =	vmul.f32 v8, v3;
	v57 =	vld.idx.msk [tilespmem:v29+s18+$0x0], $0xffff  }
0x14d: {  	v0 =	vmul.f32 v0, v27;
	v11 =	vld [tilespmem:s26+$0x2380];
	v2 =	vadd.f32 v4, v2;
	v4 =	vadd.f32 v7, v9  }
0x14e: {  	v7 =	vadd.s32 $0x4380, v21;
	v9 =	vld.idx.msk [tilespmem:v1+s18+$0x0], $0xffff;
	v1 =	vmul.f32 v5, v28  }
0x14f: {  	v5 =	vld [tilespmem:s26+$0xE300];
	v2 =	vadd.f32 v3, v2;
	v0 =	vadd.f32 v0, v4;
	v3 =	vmul.f32 v6, v30  }
0x150: {  	v6 =	vld [tilespmem:s26+$0xE380];
	v4 =	vmul.f32 v24, v31  }
0x151: {  	v8 =	vld.idx.msk [tilespmem:v56+s18+$0x0], $0xffff;
	v2 =	vadd.f32 v1, v2;
	v0 =	vadd.f32 v3, v0;
	v3 =	vmul.f32 v22, v32  }
0x152: {  	v10 =	vmul.f32 v54, v10;
	v1 =	vld.idx.msk [tilespmem:v60+s18+$0x0], $0xffff;
	v4 =	vmul.f32 v4, v58  }
0x153: {  	v11 =	vmul.f32 v57, v11;
	v2 =	vadd.f32 v0, v2;
	v3 =	vmul.f32 v3, v59;
	v0 =	vld.idx.msk [tilespmem:v7+s18+$0x0], $0xffff  }
0x154: {  	v5 =	vmul.f32 v10, v5;
	v63 =	vadd.f32 $0.0e+00, v4;
	v4 =	vld [tilespmem:s26+$0xE400]  }
0x155: {  	v7 =	vld [tilespmem:s26+$0xE480];
	v6 =	vmul.f32 v11, v6;
	v10 =	vadd.f32 v2, v55;
	v3 =	vadd.f32 $0.0e+00, v3  }
0x156: {  	v2 =	vadd.f32 v5, v63;
	v5 =	vld [tilespmem:s26+$0x2500]  }
0x157: {  	s28 =	simm.s32 $0x0;
	s29 =	simm.s32 $0x30;
	v8 =	vmul.f32 v8, v61;
	v9 =	vmul.f32 v9, v62;
	[tilespmem:s25+$0x0] =	vst v10;
	v3 =	vadd.f32 v6, v3;
	v6 =	vld [tilespmem:s26+$0x2580]  }
.LBB2_6:
0x158: {  	v10 =	vld [tilespmem:s29+$0x0]  }
0x159: {  	v11 =	vld [tilespmem:s29+$0xFFFFFFF0];
	v4 =	vmul.f32 v8, v4  }
0x15a: {  	s23 =	sadd.s32 $0x20, s23;
	s24 =	sadd.s32 $0x100, s24;
	v7 =	vmul.f32 v9, v7;
	v8 =	vld [tilespmem:s26+$0xE500]  }
0x15b: {  	s3 =	sadd.s32 $0xFFFFFFF0, s23;
	s21 =	sand.u32 $0xC00, s24;
	s30 =	sand.u32 $0x70, s23;
	v2 =	vadd.f32 v4, v2;
	v1 =	vmul.f32 v1, v5;
	v4 =	vld [tilespmem:s26+$0xE580]  }
0x15c: {  	s28 =	sadd.s32 $0x2, s28;
	s3 =	sand.u32 $0x60, s3;
	s30 =	sor.u32 s21, s30;
	v3 =	vadd.f32 v7, v3;
	v0 =	vmul.f32 v0, v6;
	v5 =	vld [tilespmem:s25+$0xFFFFFFF0]  }
0x15d: {  	p0 =	slt.u32 s28, $0x1E;
	s26 =	sor.u32 s3, s21;
	v6 =	vshll.u32 v10, $0x3;
	v7 =	vld [tilespmem:s30+$0xE400]  }
0x15e: {  	v12 =	vand.u32 $0x7F, v10;
	v9 =	vshll.u32 v11, $0x3;
	v6 =	vand.u32 $0xFFFFFC00, v6;
	v13 =	vld [tilespmem:s30+$0x2500]  }
0x15f: {  	v14 =	vand.u32 $0x7F, v11;
	v9 =	vand.u32 $0xFFFFFC00, v9;
	v6 =	vor.u32 v12, v6;
	v12 =	vld [tilespmem:s30+$0xE300]  }
0x160: {  	v10 =	vand.u32 $0x7, v10;
	v9 =	vor.u32 v14, v9;
	v14 =	vand.u32 $0xFFFFFC78, v6;
	v15 =	vld [tilespmem:s30+$0xE380]  }
0x161: {  	v16 =	vand.u32 $0xFFFFFC78, v9;
	v17 =	vadd.s32 $0x4080, v9;
	v14 =	vor.u32 v10, v14;
	v18 =	vld [tilespmem:s30+$0x2400]  }
0x162: {  	v11 =	vand.u32 $0x7, v11;
	v20 =	vadd.s32 $0x4100, v6;
	v19 =	vld [tilespmem:s30+$0xE200];
	v21 =	vadd.s32 $0x4300, v14  }
0x163: {  	v20 =	vand.u32 $0xFFFFFD78, v20;
	v16 =	vor.u32 v11, v16;
	v23 =	vadd.s32 $0x4200, v14;
	v22 =	vld [tilespmem:s30+$0xE280]  }
0x164: {  	v24 =	vadd.s32 $0x4080, v6;
	v17 =	vand.u32 $0xFFFFFCF8, v17;
	v20 =	vor.u32 v10, v20;
	v25 =	vld [tilespmem:s30+$0x2300]  }
0x165: {  	v28 =	vadd.s32 $0x4180, v6;
	v24 =	vand.u32 $0xFFFFFCF8, v24;
	v27 =	vadd.s32 $0x4000, v14;
	v26 =	vld [tilespmem:s30+$0x2200]  }
0x166: {  	v28 =	vand.u32 $0xFFFFFDF8, v28;
	v24 =	vor.u32 v10, v24;
	v29 =	vadd.s32 $0x4000, v16;
	v30 =	vld [tilespmem:s30+$0x2280]  }
0x167: {  	v6 =	vadd.s32 $0x4280, v6;
	v28 =	vor.u32 v10, v28;
	v17 =	vor.u32 v11, v17;
	v21 =	vld.idx.msk [tilespmem:v21+s18+$0x0], $0xffff  }
0x168: {  	v31 =	vadd.s32 $0x4100, v9;
	v32 =	vadd.s32 $0x4180, v9;
	v6 =	vand.u32 $0xFFFFFEF8, v6;
	v23 =	vld.idx.msk [tilespmem:v23+s18+$0x0], $0xffff  }
0x169: {  	v31 =	vand.u32 $0xFFFFFD78, v31;
	v32 =	vand.u32 $0xFFFFFDF8, v32;
	v6 =	vor.u32 v10, v6;
	v20 =	vld.idx.msk [tilespmem:v20+s18+$0x0], $0xffff  }
0x16a: {  	v9 =	vadd.s32 $0x4280, v9;
	v10 =	vor.u32 v11, v31;
	v31 =	vor.u32 v11, v32;
	v27 =	vld.idx.msk [tilespmem:v27+s18+$0x0], $0xffff  }
0x16b: {  	v9 =	vand.u32 $0xFFFFFEF8, v9;
	v14 =	vadd.s32 $0x4380, v14;
	v32 =	vadd.s32 $0x4200, v16;
	v24 =	vld.idx.msk [tilespmem:v24+s18+$0x0], $0xffff  }
0x16c: {  	v9 =	vor.u32 v11, v9;
	v11 =	vadd.s32 $0x4300, v16;
	v16 =	vadd.s32 $0x4380, v16;
	v28 =	vld.idx.msk [tilespmem:v28+s18+$0x0], $0xffff  }
0x16d: {  	v1 =	vmul.f32 v1, v8;
	v0 =	vmul.f32 v0, v4;
	v33 =	vld [tilespmem:s30+$0x2380]  }
0x16e: {  	v4 =	vld.idx.msk [tilespmem:v6+s18+$0x0], $0xffff  }
0x16f: {  	v1 =	vadd.f32 v1, v2;
	v0 =	vadd.f32 v0, v3;
	v6 =	vld [tilespmem:s30+$0x2480]  }
0x170: {  	v3 =	vmul.f32 v21, v13;
	v2 =	vmul.f32 v23, v18;
	v8 =	vld.idx.msk [tilespmem:v14+s18+$0x0], $0xffff  }
0x171: {  	v0 =	vadd.f32 v0, v1;
	v13 =	vmul.f32 v27, v26;
	v14 =	vmul.f32 v24, v30;
	v18 =	vld [tilespmem:s30+$0x2580]  }
0x172: {  	v1 =	vmul.f32 v20, v25;
	v20 =	vmul.f32 v28, v33;
	v21 =	vld [tilespmem:s30+$0xE480]  }
0x173: {  	v0 =	vadd.f32 v0, v5;
	v13 =	vmul.f32 v13, v19;
	v14 =	vmul.f32 v14, v22;
	v19 =	vld [tilespmem:s30+$0xE500]  }
0x174: {  	v1 =	vmul.f32 v1, v12;
	v4 =	vmul.f32 v4, v6;
	v5 =	vld [tilespmem:s30+$0xE580]  }
0x175: {  	v12 =	vadd.f32 $0.0e+00, v13;
	v13 =	vadd.f32 $0.0e+00, v14;
	v14 =	vmul.f32 v20, v15;
	v6 =	vld.idx.msk [tilespmem:v29+s18+$0x0], $0xffff;
	[tilespmem:s25+$0xFFFFFFF0] =	vst v0  }
0x176: {  	v2 =	vmul.f32 v2, v7;
	v0 =	vld.idx.msk [tilespmem:v17+s18+$0x0], $0xffff;
	v7 =	vmul.f32 v8, v18  }
0x177: {  	v1 =	vadd.f32 v1, v12;
	v12 =	vadd.f32 v14, v13;
	v8 =	vld [tilespmem:s26+$0x2200];
	v4 =	vmul.f32 v4, v21  }
0x178: {  	v13 =	vld [tilespmem:s26+$0x2280];
	v3 =	vmul.f32 v3, v19  }
0x179: {  	s25 =	sadd.s32 $0x20, s25;
	v1 =	vadd.f32 v2, v1;
	v10 =	vld.idx.msk [tilespmem:v10+s18+$0x0], $0xffff;
	v2 =	vadd.f32 v4, v12;
	v4 =	vmul.f32 v7, v5  }
0x17a: {  	v5 =	vld [tilespmem:s25+$0x0]  }
0x17b: {  	v1 =	vadd.f32 v3, v1;
	v7 =	vld.idx.msk [tilespmem:v31+s18+$0x0], $0xffff;
	v2 =	vadd.f32 v4, v2  }
0x17c: {  	v3 =	vld [tilespmem:s26+$0xE200];
	v4 =	vmul.f32 v6, v8  }
0x17d: {  	v6 =	vld [tilespmem:s26+$0xE280];
	v0 =	vmul.f32 v0, v13;
	v1 =	vadd.f32 v2, v1  }
0x17e: {  	v2 =	vld [tilespmem:s26+$0x2300]  }
0x17f: {  	v8 =	vld [tilespmem:s26+$0x2380];
	v1 =	vadd.f32 v1, v5  }
0x180: {  	v5 =	vld.idx.msk [tilespmem:v32+s18+$0x0], $0xffff  }
0x181: {  	v3 =	vmul.f32 v4, v3;
	v9 =	vld.idx.msk [tilespmem:v9+s18+$0x0], $0xffff;
	[tilespmem:s25+$0x0] =	vst v1  }
0x182: {  	v0 =	vmul.f32 v0, v6;
	v4 =	vld [tilespmem:s26+$0xE300]  }
0x183: {  	v3 =	vadd.f32 $0.0e+00, v3;
	v2 =	vmul.f32 v10, v2;
	v6 =	vld [tilespmem:s26+$0xE380]  }
0x184: {  	v10 =	vadd.f32 $0.0e+00, v0;
	v7 =	vmul.f32 v7, v8;
	v8 =	vld [tilespmem:s26+$0x2400]  }
0x185: {  	v12 =	vld [tilespmem:s26+$0x2480]  }
0x186: {  	v1 =	vld.idx.msk [tilespmem:v11+s18+$0x0], $0xffff  }
.Ltmp2:
0x187: {  	v2 =	vmul.f32 v2, v4;
	v0 =	vld.idx.msk [tilespmem:v16+s18+$0x0], $0xffff;
	(pc) =	sbr.rel @p0 .LBB2_6-.Ltmp2, $4  }
0x188: {  	v6 =	vmul.f32 v7, v6;
	v4 =	vld [tilespmem:s26+$0xE400]  }
0x189: {  	v2 =	vadd.f32 v2, v3;
	v8 =	vmul.f32 v5, v8;
	v7 =	vld [tilespmem:s26+$0xE480]  }
0x18a: {  	v3 =	vadd.f32 v6, v10;
	v9 =	vmul.f32 v9, v12;
	v5 =	vld [tilespmem:s26+$0x2500]  }
0x18b: {  	s29 =	sadd.s32 $0x20, s29;
	v6 =	vld [tilespmem:s26+$0x2580]  }
0x18c: {  	v10 =	vld [tilespmem:s26+$0xE500]  }
0x18d: {  	v11 =	vld [tilespmem:s26+$0xE580];
	_ =	sdelay $0x1  }
0x18e: {  	v4 =	vmul.f32 v8, v4;
	v7 =	vmul.f32 v9, v7  }
0x18f: {  	v1 =	vmul.f32 v1, v5;
	v0 =	vmul.f32 v0, v6  }
0x190: {  	v2 =	vadd.f32 v4, v2  }
0x191: {  	v3 =	vadd.f32 v7, v3;
	v1 =	vmul.f32 v1, v10;
	v0 =	vmul.f32 v0, v11  }
0x192: {  	v4 =	vld [tilespmem:s25+$0xFFFFFFF0]  }
0x193: {  	v1 =	vadd.f32 v1, v2;
	v0 =	vadd.f32 v0, v3;
	_ =	sdelay $0x1  }
0x194: {  	v0 =	vadd.f32 v0, v1;
	_ =	sdelay $0x1  }
0x195: {  	v0 =	vadd.f32 v0, v4;
	_ =	sdelay $0x1  }
0x196: {  	[tilespmem:s25+$0xFFFFFFF0] =	vst v0  }
0x197: {  	_ =	swait.ge [sflag:s20], $0x2000  }
0x198: {  	[sflag:s20] =	ssyncset.done $0x0  }
0x199: {  	[sflag:s20] =	ssyncadd.s32 $0xFFFFE000  }
0x19a: {  	_ =	swait.ge [sflag:s20], $0x1000  }
0x19b: {  	[sflag:s20] =	ssyncset.done $0x0  }
0x19c: {  	[sflag:s20] =	ssyncadd.s32 $0xFFFFF000  }
0x19d: {  	_ =	swait.ge [sflag:s20], $0x1000  }
0x19e: {  	[sflag:s20] =	ssyncset.done $0x0  }
0x19f: {  	s23 =	simm.s32 $0x10;
	s24 =	simm.s32 $0x0;
	[sflag:s20] =	ssyncadd.s32 $0xFFFFF000  }
0x1a0: {  	s3 =	sand.u32 $0x70, s23;
	s25 =	sand.u32 $0xC00, s24;
	v0 =	vld [tilespmem:s23+$0x0]  }
0x1a1: {  	s21 =	sor.u32 s25, s3;
	v1 =	vld [tilespmem:s23+$0xFFFFFFF0]  }
0x1a2: {  	v3 =	vld [tilespmem:s21+$0xF400]  }
0x1a3: {  	v5 =	vld [tilespmem:s21+$0x3500]  }
0x1a4: {  	v7 =	vld [tilespmem:s21+$0xF380]  }
0x1a5: {  	v8 =	vld [tilespmem:s21+$0x3400]  }
0x1a6: {  	v9 =	vld [tilespmem:s21+$0xF200]  }
0x1a7: {  	v12 =	vld [tilespmem:s21+$0xF280]  }
0x1a8: {  	v15 =	vld [tilespmem:s21+$0x3300]  }
0x1a9: {  	v16 =	vld [tilespmem:s21+$0x3200]  }
0x1aa: {  	v19 =	vld [tilespmem:s21+$0x3280]  }
0x1ab: {  	v53 =	vld [tilespmem:s21+$0x3380]  }
0x1ac: {  	v23 =	vld [tilespmem:s21+$0x3480]  }
0x1ad: {  	v25 =	vld [tilespmem:s21+$0x3580]  }
0x1ae: {  	s30 =	simm.s32 $0x0;
	v27 =	vld [tilespmem:s21+$0xF480];
	v2 =	vshll.u32 v0, $0x3  }
0x1af: {  	s3 =	sand.u32 $0x60, s30;
	v28 =	vld [tilespmem:s21+$0xF500];
	v4 =	vand.u32 $0x7F, v0;
	v2 =	vand.u32 $0xFFFFFC00, v2  }
0x1b0: {  	s26 =	sor.u32 s3, s25;
	v30 =	vld [tilespmem:s21+$0xF580];
	v2 =	vor.u32 v4, v2  }
0x1b1: {  	v31 =	vld [tilespmem:s26+$0x3200];
	v0 =	vand.u32 $0x7, v0;
	v6 =	vand.u32 $0xFFFFFC78, v2  }
0x1b2: {  	s25 =	simm.s32 $0x10210;
	v32 =	vld [tilespmem:s26+$0x3280];
	v6 =	vor.u32 v0, v6  }
0x1b3: {  	v55 =	vld [tilespmem:s25+$0x0];
	v10 =	vadd.s32 $0x6100, v2;
	v11 =	vadd.s32 $0x6300, v6  }
0x1b4: {  	v58 =	vld [tilespmem:s26+$0xF200];
	v14 =	vadd.s32 $0x6080, v2;
	v10 =	vand.u32 $0xFFFFFD78, v10;
	v17 =	vadd.s32 $0x6000, v6  }
0x1b5: {  	v59 =	vld [tilespmem:s26+$0xF280];
	v18 =	vadd.s32 $0x6180, v2;
	v14 =	vand.u32 $0xFFFFFCF8, v14;
	v10 =	vor.u32 v0, v10  }
0x1b6: {  	v61 =	vld [tilespmem:s26+$0x3400];
	v18 =	vand.u32 $0xFFFFFDF8, v18;
	v14 =	vor.u32 v0, v14  }
0x1b7: {  	v4 =	vld [tilespmem:s21+$0xF300];
	v2 =	vadd.s32 $0x6280, v2;
	v18 =	vor.u32 v0, v18  }
0x1b8: {  	v52 =	vshll.u32 v1, $0x3;
	v2 =	vand.u32 $0xFFFFFEF8, v2;
	v13 =	vadd.s32 $0x6200, v6;
	v11 =	vld.idx.msk [tilespmem:v11+s18+$0x0], $0xffff  }
0x1b9: {  	v20 =	vand.u32 $0x7F, v1;
	v0 =	vor.u32 v0, v2;
	v2 =	vld.idx.msk [tilespmem:v17+s18+$0x0], $0xffff;
	v17 =	vand.u32 $0xFFFFFC00, v52  }
0x1ba: {  	v1 =	vand.u32 $0x7, v1;
	v6 =	vadd.s32 $0x6380, v6;
	v10 =	vld.idx.msk [tilespmem:v10+s18+$0x0], $0xffff;
	v17 =	vor.u32 v20, v17  }
0x1bb: {  	v14 =	vld.idx.msk [tilespmem:v14+s18+$0x0], $0xffff;
	v21 =	vand.u32 $0xFFFFFC78, v17;
	v22 =	vadd.s32 $0x6080, v17;
	v26 =	vadd.s32 $0x6100, v17  }
0x1bc: {  	v18 =	vld.idx.msk [tilespmem:v18+s18+$0x0], $0xffff;
	v29 =	vadd.s32 $0x6180, v17;
	v21 =	vor.u32 v1, v21;
	v22 =	vand.u32 $0xFFFFFCF8, v22  }
0x1bd: {  	v13 =	vld.idx.msk [tilespmem:v13+s18+$0x0], $0xffff;
	v26 =	vand.u32 $0xFFFFFD78, v26;
	v29 =	vand.u32 $0xFFFFFDF8, v29;
	v24 =	vadd.s32 $0x6000, v21  }
0x1be: {  	v0 =	vld.idx.msk [tilespmem:v0+s18+$0x0], $0xffff;
	v22 =	vor.u32 v1, v22;
	v26 =	vor.u32 v1, v26;
	v29 =	vor.u32 v1, v29  }
0x1bf: {  	v62 =	vld [tilespmem:s26+$0x3480];
	v5 =	vmul.f32 v11, v5;
	v11 =	vadd.s32 $0x6280, v17;
	v10 =	vmul.f32 v10, v15  }
0x1c0: {  	v6 =	vld.idx.msk [tilespmem:v6+s18+$0x0], $0xffff;
	v2 =	vmul.f32 v2, v16;
	v14 =	vmul.f32 v14, v19;
	v11 =	vand.u32 $0xFFFFFEF8, v11  }
0x1c1: {  	v1 =	vor.u32 v1, v11;
	v11 =	vmul.f32 v18, v53;
	v4 =	vmul.f32 v10, v4;
	v10 =	vld [tilespmem:s26+$0x3300]  }
0x1c2: {  	v2 =	vmul.f32 v2, v9;
	v9 =	vmul.f32 v14, v12;
	v24 =	vld.idx.msk [tilespmem:v24+s18+$0x0], $0xffff  }
0x1c3: {  	v56 =	vadd.s32 $0x6200, v21;
	v8 =	vmul.f32 v13, v8;
	v0 =	vmul.f32 v0, v23;
	v22 =	vld.idx.msk [tilespmem:v22+s18+$0x0], $0xffff  }
0x1c4: {  	v54 =	vld.idx.msk [tilespmem:v26+s18+$0x0], $0xffff;
	v2 =	vadd.f32 $0.0e+00, v2;
	v9 =	vadd.f32 $0.0e+00, v9;
	v7 =	vmul.f32 v11, v7  }
0x1c5: {  	v60 =	vadd.s32 $0x6300, v21;
	v6 =	vmul.f32 v6, v25;
	v3 =	vmul.f32 v8, v3;
	v57 =	vld.idx.msk [tilespmem:v29+s18+$0x0], $0xffff  }
0x1c6: {  	v0 =	vmul.f32 v0, v27;
	v11 =	vld [tilespmem:s26+$0x3380];
	v2 =	vadd.f32 v4, v2;
	v4 =	vadd.f32 v7, v9  }
0x1c7: {  	v7 =	vadd.s32 $0x6380, v21;
	v9 =	vld.idx.msk [tilespmem:v1+s18+$0x0], $0xffff;
	v1 =	vmul.f32 v5, v28  }
0x1c8: {  	v5 =	vld [tilespmem:s26+$0xF300];
	v2 =	vadd.f32 v3, v2;
	v0 =	vadd.f32 v0, v4;
	v3 =	vmul.f32 v6, v30  }
0x1c9: {  	v6 =	vld [tilespmem:s26+$0xF380];
	v4 =	vmul.f32 v24, v31  }
0x1ca: {  	v8 =	vld.idx.msk [tilespmem:v56+s18+$0x0], $0xffff;
	v2 =	vadd.f32 v1, v2;
	v0 =	vadd.f32 v3, v0;
	v3 =	vmul.f32 v22, v32  }
0x1cb: {  	v10 =	vmul.f32 v54, v10;
	v1 =	vld.idx.msk [tilespmem:v60+s18+$0x0], $0xffff;
	v4 =	vmul.f32 v4, v58  }
0x1cc: {  	v11 =	vmul.f32 v57, v11;
	v2 =	vadd.f32 v0, v2;
	v3 =	vmul.f32 v3, v59;
	v0 =	vld.idx.msk [tilespmem:v7+s18+$0x0], $0xffff  }
0x1cd: {  	v5 =	vmul.f32 v10, v5;
	v63 =	vadd.f32 $0.0e+00, v4;
	v4 =	vld [tilespmem:s26+$0xF400]  }
0x1ce: {  	v7 =	vld [tilespmem:s26+$0xF480];
	v6 =	vmul.f32 v11, v6;
	v10 =	vadd.f32 v2, v55;
	v3 =	vadd.f32 $0.0e+00, v3  }
0x1cf: {  	v2 =	vadd.f32 v5, v63;
	v5 =	vld [tilespmem:s26+$0x3500]  }
0x1d0: {  	s28 =	simm.s32 $0x0;
	s29 =	simm.s32 $0x30;
	v8 =	vmul.f32 v8, v61;
	v9 =	vmul.f32 v9, v62;
	[tilespmem:s25+$0x0] =	vst v10;
	v3 =	vadd.f32 v6, v3;
	v6 =	vld [tilespmem:s26+$0x3580]  }
.LBB2_8:
0x1d1: {  	v10 =	vld [tilespmem:s29+$0x0]  }
0x1d2: {  	v11 =	vld [tilespmem:s29+$0xFFFFFFF0];
	v4 =	vmul.f32 v8, v4  }
0x1d3: {  	s23 =	sadd.s32 $0x20, s23;
	s24 =	sadd.s32 $0x100, s24;
	v7 =	vmul.f32 v9, v7;
	v8 =	vld [tilespmem:s26+$0xF500]  }
0x1d4: {  	s3 =	sadd.s32 $0xFFFFFFF0, s23;
	s21 =	sand.u32 $0xC00, s24;
	s30 =	sand.u32 $0x70, s23;
	v2 =	vadd.f32 v4, v2;
	v1 =	vmul.f32 v1, v5;
	v4 =	vld [tilespmem:s26+$0xF580]  }
0x1d5: {  	s28 =	sadd.s32 $0x2, s28;
	s3 =	sand.u32 $0x60, s3;
	s30 =	sor.u32 s21, s30;
	v3 =	vadd.f32 v7, v3;
	v0 =	vmul.f32 v0, v6;
	v5 =	vld [tilespmem:s25+$0xFFFFFFF0]  }
0x1d6: {  	p0 =	slt.u32 s28, $0x1E;
	s26 =	sor.u32 s3, s21;
	v6 =	vshll.u32 v10, $0x3;
	v7 =	vld [tilespmem:s30+$0xF400]  }
0x1d7: {  	v12 =	vand.u32 $0x7F, v10;
	v9 =	vshll.u32 v11, $0x3;
	v6 =	vand.u32 $0xFFFFFC00, v6;
	v13 =	vld [tilespmem:s30+$0x3500]  }
0x1d8: {  	v14 =	vand.u32 $0x7F, v11;
	v9 =	vand.u32 $0xFFFFFC00, v9;
	v6 =	vor.u32 v12, v6;
	v12 =	vld [tilespmem:s30+$0xF300]  }
0x1d9: {  	v10 =	vand.u32 $0x7, v10;
	v9 =	vor.u32 v14, v9;
	v14 =	vand.u32 $0xFFFFFC78, v6;
	v15 =	vld [tilespmem:s30+$0xF380]  }
0x1da: {  	v16 =	vand.u32 $0xFFFFFC78, v9;
	v17 =	vadd.s32 $0x6080, v9;
	v14 =	vor.u32 v10, v14;
	v18 =	vld [tilespmem:s30+$0x3400]  }
0x1db: {  	v11 =	vand.u32 $0x7, v11;
	v20 =	vadd.s32 $0x6100, v6;
	v19 =	vld [tilespmem:s30+$0xF200];
	v21 =	vadd.s32 $0x6300, v14  }
0x1dc: {  	v20 =	vand.u32 $0xFFFFFD78, v20;
	v16 =	vor.u32 v11, v16;
	v23 =	vadd.s32 $0x6200, v14;
	v22 =	vld [tilespmem:s30+$0xF280]  }
0x1dd: {  	v24 =	vadd.s32 $0x6080, v6;
	v17 =	vand.u32 $0xFFFFFCF8, v17;
	v20 =	vor.u32 v10, v20;
	v25 =	vld [tilespmem:s30+$0x3300]  }
0x1de: {  	v28 =	vadd.s32 $0x6180, v6;
	v24 =	vand.u32 $0xFFFFFCF8, v24;
	v27 =	vadd.s32 $0x6000, v14;
	v26 =	vld [tilespmem:s30+$0x3200]  }
0x1df: {  	v28 =	vand.u32 $0xFFFFFDF8, v28;
	v24 =	vor.u32 v10, v24;
	v29 =	vadd.s32 $0x6000, v16;
	v30 =	vld [tilespmem:s30+$0x3280]  }
0x1e0: {  	v6 =	vadd.s32 $0x6280, v6;
	v28 =	vor.u32 v10, v28;
	v17 =	vor.u32 v11, v17;
	v21 =	vld.idx.msk [tilespmem:v21+s18+$0x0], $0xffff  }
0x1e1: {  	v31 =	vadd.s32 $0x6100, v9;
	v32 =	vadd.s32 $0x6180, v9;
	v6 =	vand.u32 $0xFFFFFEF8, v6;
	v23 =	vld.idx.msk [tilespmem:v23+s18+$0x0], $0xffff  }
0x1e2: {  	v31 =	vand.u32 $0xFFFFFD78, v31;
	v32 =	vand.u32 $0xFFFFFDF8, v32;
	v6 =	vor.u32 v10, v6;
	v20 =	vld.idx.msk [tilespmem:v20+s18+$0x0], $0xffff  }
0x1e3: {  	v9 =	vadd.s32 $0x6280, v9;
	v10 =	vor.u32 v11, v31;
	v31 =	vor.u32 v11, v32;
	v27 =	vld.idx.msk [tilespmem:v27+s18+$0x0], $0xffff  }
0x1e4: {  	v9 =	vand.u32 $0xFFFFFEF8, v9;
	v14 =	vadd.s32 $0x6380, v14;
	v32 =	vadd.s32 $0x6200, v16;
	v24 =	vld.idx.msk [tilespmem:v24+s18+$0x0], $0xffff  }
0x1e5: {  	v9 =	vor.u32 v11, v9;
	v11 =	vadd.s32 $0x6300, v16;
	v16 =	vadd.s32 $0x6380, v16;
	v28 =	vld.idx.msk [tilespmem:v28+s18+$0x0], $0xffff  }
0x1e6: {  	v1 =	vmul.f32 v1, v8;
	v0 =	vmul.f32 v0, v4;
	v33 =	vld [tilespmem:s30+$0x3380]  }
0x1e7: {  	v4 =	vld.idx.msk [tilespmem:v6+s18+$0x0], $0xffff  }
0x1e8: {  	v1 =	vadd.f32 v1, v2;
	v0 =	vadd.f32 v0, v3;
	v6 =	vld [tilespmem:s30+$0x3480]  }
0x1e9: {  	v3 =	vmul.f32 v21, v13;
	v2 =	vmul.f32 v23, v18;
	v8 =	vld.idx.msk [tilespmem:v14+s18+$0x0], $0xffff  }
0x1ea: {  	v0 =	vadd.f32 v0, v1;
	v13 =	vmul.f32 v27, v26;
	v14 =	vmul.f32 v24, v30;
	v18 =	vld [tilespmem:s30+$0x3580]  }
0x1eb: {  	v1 =	vmul.f32 v20, v25;
	v20 =	vmul.f32 v28, v33;
	v21 =	vld [tilespmem:s30+$0xF480]  }
0x1ec: {  	v0 =	vadd.f32 v0, v5;
	v13 =	vmul.f32 v13, v19;
	v14 =	vmul.f32 v14, v22;
	v19 =	vld [tilespmem:s30+$0xF500]  }
0x1ed: {  	v1 =	vmul.f32 v1, v12;
	v4 =	vmul.f32 v4, v6;
	v5 =	vld [tilespmem:s30+$0xF580]  }
0x1ee: {  	v12 =	vadd.f32 $0.0e+00, v13;
	v13 =	vadd.f32 $0.0e+00, v14;
	v14 =	vmul.f32 v20, v15;
	v6 =	vld.idx.msk [tilespmem:v29+s18+$0x0], $0xffff;
	[tilespmem:s25+$0xFFFFFFF0] =	vst v0  }
0x1ef: {  	v2 =	vmul.f32 v2, v7;
	v0 =	vld.idx.msk [tilespmem:v17+s18+$0x0], $0xffff;
	v7 =	vmul.f32 v8, v18  }
0x1f0: {  	v1 =	vadd.f32 v1, v12;
	v12 =	vadd.f32 v14, v13;
	v8 =	vld [tilespmem:s26+$0x3200];
	v4 =	vmul.f32 v4, v21  }
0x1f1: {  	v13 =	vld [tilespmem:s26+$0x3280];
	v3 =	vmul.f32 v3, v19  }
0x1f2: {  	s25 =	sadd.s32 $0x20, s25;
	v1 =	vadd.f32 v2, v1;
	v10 =	vld.idx.msk [tilespmem:v10+s18+$0x0], $0xffff;
	v2 =	vadd.f32 v4, v12;
	v4 =	vmul.f32 v7, v5  }
0x1f3: {  	v5 =	vld [tilespmem:s25+$0x0]  }
0x1f4: {  	v1 =	vadd.f32 v3, v1;
	v7 =	vld.idx.msk [tilespmem:v31+s18+$0x0], $0xffff;
	v2 =	vadd.f32 v4, v2  }
0x1f5: {  	v3 =	vld [tilespmem:s26+$0xF200];
	v4 =	vmul.f32 v6, v8  }
0x1f6: {  	v6 =	vld [tilespmem:s26+$0xF280];
	v0 =	vmul.f32 v0, v13;
	v1 =	vadd.f32 v2, v1  }
0x1f7: {  	v2 =	vld [tilespmem:s26+$0x3300]  }
0x1f8: {  	v8 =	vld [tilespmem:s26+$0x3380];
	v1 =	vadd.f32 v1, v5  }
0x1f9: {  	v5 =	vld.idx.msk [tilespmem:v32+s18+$0x0], $0xffff  }
0x1fa: {  	v3 =	vmul.f32 v4, v3;
	v9 =	vld.idx.msk [tilespmem:v9+s18+$0x0], $0xffff;
	[tilespmem:s25+$0x0] =	vst v1  }
0x1fb: {  	v0 =	vmul.f32 v0, v6;
	v4 =	vld [tilespmem:s26+$0xF300]  }
0x1fc: {  	v3 =	vadd.f32 $0.0e+00, v3;
	v2 =	vmul.f32 v10, v2;
	v6 =	vld [tilespmem:s26+$0xF380]  }
0x1fd: {  	v10 =	vadd.f32 $0.0e+00, v0;
	v7 =	vmul.f32 v7, v8;
	v8 =	vld [tilespmem:s26+$0x3400]  }
0x1fe: {  	v12 =	vld [tilespmem:s26+$0x3480]  }
0x1ff: {  	v1 =	vld.idx.msk [tilespmem:v11+s18+$0x0], $0xffff  }
.Ltmp3:
0x200: {  	v2 =	vmul.f32 v2, v4;
	v0 =	vld.idx.msk [tilespmem:v16+s18+$0x0], $0xffff;
	(pc) =	sbr.rel @p0 .LBB2_8-.Ltmp3, $4  }
0x201: {  	v6 =	vmul.f32 v7, v6;
	v4 =	vld [tilespmem:s26+$0xF400]  }
0x202: {  	v2 =	vadd.f32 v2, v3;
	v8 =	vmul.f32 v5, v8;
	v7 =	vld [tilespmem:s26+$0xF480]  }
0x203: {  	v3 =	vadd.f32 v6, v10;
	v9 =	vmul.f32 v9, v12;
	v5 =	vld [tilespmem:s26+$0x3500]  }
0x204: {  	s29 =	sadd.s32 $0x20, s29;
	v6 =	vld [tilespmem:s26+$0x3580]  }
0x205: {  	v10 =	vld [tilespmem:s26+$0xF500]  }
0x206: {  	v11 =	vld [tilespmem:s26+$0xF580];
	_ =	sdelay $0x1  }
0x207: {  	v4 =	vmul.f32 v8, v4;
	v7 =	vmul.f32 v9, v7  }
0x208: {  	v1 =	vmul.f32 v1, v5;
	v0 =	vmul.f32 v0, v6  }
0x209: {  	v2 =	vadd.f32 v4, v2  }
0x20a: {  	v3 =	vadd.f32 v7, v3;
	v1 =	vmul.f32 v1, v10;
	v0 =	vmul.f32 v0, v11  }
0x20b: {  	v63 =	vld [tilespmem:s25+$0xFFFFFFF0]  }
0x20c: {  	v1 =	vadd.f32 v1, v2;
	v0 =	vadd.f32 v0, v3;
	_ =	sdelay $0x1  }
0x20d: {  	v0 =	vadd.f32 v0, v1;
	_ =	sdelay $0x1  }
0x20e: {  	s22 =	sadd.s32 $0x1, s22;
	v0 =	vadd.f32 v0, v63  }
0x20f: {  	p0 =	sne.s32 s22, s17  }
.Ltmp4:
0x210: {  	s3 =	simm.s32 $0x10200;
	[tilespmem:s25+$0xFFFFFFF0] =	vst v0;
	(pc) =	sbr.rel @p0 .LBB2_1-.Ltmp4, $4  }
0x211: {  	[hbm4b:s16+s2] =	stream.linear.scatter [tilespmem:s3], [sflag:$0x5], $0x200, $0x38;
	[tilespmem:$0x10400] =	vst v63  }
0x212: {  	_ =	swait.ge [sflag:s31], $0x200  }
0x213: {  	[sflag:s31] =	ssyncset.done $0x0  }
0x214: {  	[sflag:s31] =	ssyncadd.s32 $0xFFFFFE00  }
0x215: {  	_ =	sfence.sel $0x180000  }
0x216: {  	[bflag:$0x0] =	sbarrier.arrive $0xFFFF  }
0x217: {  	_ =	strace $0x90000047  }
0x218: {  	s0 =	stileid.u32;
	[bflag:$0x2] =	sbarrier.arrive $0xFFFF  }
0x219: {  	p0 =	sne.s32 s0, $0x0;
	s0 =	rddreg [dreg:$0x5]  }
0x21a: {  	s0 =	sadd.s32 @!p0 $0x100000, s0  }
0x21b: {  	[sflag:s0] =	ssyncadd.tile.s32 @!p0 $0x1;
	_ =	shalt  }
.Lfunc_end2:
_tile_overlayer_lowered:
.L_overlay_start_2:
0x21c: {  	(tag) =	ssettag $0x2  }
0x21d: {  	s0 =	rddreg [dreg:$0x0];
	s2 =	stileid.u32  }
0x21e: {  	s1 =	rddreg [dreg:$0x1];
	p0 =	sne.s32 s2, $0x0  }
0x21f: {  	s3 =	rddreg [dreg:$0x2];
	[bflag:$0x3] =	sbarrier.arrive $0xFFFF;
	s2 =	simm.s32 @!p0 $0x1C05  }
0x220: {  	[timem:s3], [sflag:s2] =	dma.local @!p0 [hbm:s0], s1  }
0x221: {  	s0 =	simm.s32 @!p0 $0x5  }
0x222: {  	_ =	swait.ge @!p0 [sflag:s0], s1  }
0x223: {  	s1 =	ssub.s32 @!p0 $0x0, s1;
	[sflag:s0] =	ssyncset.done @!p0 $0x0  }
0x224: {  	[sflag:s0] =	ssyncadd.s32 @!p0 s1  }
0x225: {  	[bflag:$0x3] =	sbarrier.arrive $0xFFFF  }
0x226: {  	_ =	shalt  }

</sc_bundles>
